<compile_context>
chip_gen: v7x
topology: tpu7x:2x2x1
jax: 0.10.2.dev20260603
libtpu: 0.0.44.dev20260713+nightly
codegen_flags: <defaults>
</compile_context>

<pallas_src>
import jax
import jax.numpy as jnp
from jax import lax
from jax.experimental import pallas as pl
from jax.experimental.pallas import tpu as pltpu
from jax.experimental.pallas import tpu_sc as plsc

N_NODES = 10000
N_FEAT = 128
N_EDGES = 320000

_INFO = plsc.get_sparse_core_info()
NC, NS = _INFO.num_cores, _INFO.num_subcores
NW = NC * NS
PER_W = N_EDGES // NW
C = 200
NCHUNK = PER_W // C


def _decode_body(z_hbm, elix_hbm, out_hbm, sidx, didx, rs0, rs1, rd0, rd1,
                 ob0, ob1, ztab, ss0, ss1, sd0, sd1, os0, os1):
    wid = lax.axis_index("s") * NC + lax.axis_index("c")
    woff = wid * PER_W
    lane = lax.iota(jnp.int32, 16)
    rs, rd, ob = (rs0, rs1), (rd0, rd1), (ob0, ob1)
    ssem, dsem, osem = (ss0, ss1), (sd0, sd1), (os0, os1)

    sid = lax.axis_index("s")
    rows_per_tile = N_NODES // NS
    pltpu.async_copy(elix_hbm.at[pl.ds(woff, PER_W)], sidx, osem[0])
    pltpu.async_copy(elix_hbm.at[pl.ds(N_EDGES + woff, PER_W)], didx, osem[1])
    pltpu.sync_copy(z_hbm.at[pl.ds(sid * rows_per_tile, rows_per_tile)],
                    ztab.at[pl.ds(sid * rows_per_tile, rows_per_tile)])
    plsc.subcore_barrier()
    pltpu.make_async_copy(elix_hbm.at[pl.ds(0, PER_W)], sidx, osem[0]).wait()
    pltpu.make_async_copy(elix_hbm.at[pl.ds(0, PER_W)], didx, osem[1]).wait()

    def start_gather(c, b):
        pltpu.async_copy(ztab.at[sidx.at[pl.ds(c * C, C)]], rs[b], ssem[b])
        pltpu.async_copy(ztab.at[didx.at[pl.ds(c * C, C)]], rd[b], dsem[b])

    def wait_gather(b):
        pltpu.make_async_copy(z_hbm.at[pl.ds(0, C)], rs[b], ssem[b]).wait()
        pltpu.make_async_copy(z_hbm.at[pl.ds(0, C)], rd[b], dsem[b]).wait()

    def compute(c, b):
        srows, drows = rs[b], rd[b]
        last = lane == 15

        @pl.when(c >= 2)
        def _():
            pltpu.make_async_copy(ob[b].at[pl.ds(0, C)],
                                  out_hbm.at[pl.ds(0, C)], osem[b]).wait()

        @plsc.parallel_loop(0, C, unroll=8)
        def edge_body(e):
            ps = []
            for k in range(4):
                sb = plsc.bitcast(srows[e, pl.ds(k * 16, 16)], jnp.bfloat16)
                db = plsc.bitcast(drows[e, pl.ds(k * 16, 16)], jnp.bfloat16)
                ps.append(sb * db)
            q0, q1 = ps[0] + ps[1], ps[2] + ps[3]
            a0, b0 = plsc.unpack(q0, format=plsc.PackFormat.INTERLEAVED)
            a1, b1 = plsc.unpack(q1, format=plsc.PackFormat.INTERLEAVED)
            t = plsc.cumsum((a0 + b0) + (a1 + b1))
            plsc.store_compressed(ob[b].at[pl.ds(e, 16)], t, mask=last)

        pltpu.async_copy(ob[b].at[pl.ds(0, C)],
                         out_hbm.at[pl.ds(woff + c * C, C)], osem[b])

    start_gather(0, 0)

    def outer(ci2, carry):
        c0 = ci2 * 2
        start_gather(c0 + 1, 1)
        wait_gather(0)
        compute(c0, 0)

        @pl.when(c0 + 2 < NCHUNK)
        def _():
            start_gather(c0 + 2, 0)

        wait_gather(1)
        compute(c0 + 1, 1)
        return carry

    lax.fori_loop(0, NCHUNK // 2, outer, 0)
    pltpu.make_async_copy(ob[0].at[pl.ds(0, C)], out_hbm.at[pl.ds(0, C)],
                          osem[0]).wait()
    pltpu.make_async_copy(ob[1].at[pl.ds(0, C)], out_hbm.at[pl.ds(0, C)],
                          osem[1]).wait()


def kernel(z, edge_label_index):
    zb = z.astype(jnp.bfloat16).reshape(N_NODES, N_FEAT // 2, 2)
    z32 = lax.bitcast_convert_type(zb, jnp.int32)
    elix = edge_label_index.astype(jnp.int32).reshape(2 * N_EDGES)
    mesh = plsc.VectorSubcoreMesh(core_axis_name="c", subcore_axis_name="s")
    k = pl.kernel(
        _decode_body,
        mesh=mesh,
        compiler_params=pltpu.CompilerParams(needs_layout_passes=False,
                                             use_tc_tiling_on_sc=False),
        out_type=jax.ShapeDtypeStruct((N_EDGES,), jnp.float32),
        scratch_types=[
            pltpu.VMEM((PER_W,), jnp.int32),
            pltpu.VMEM((PER_W,), jnp.int32),
            pltpu.VMEM((C, N_FEAT // 2), jnp.int32),
            pltpu.VMEM((C, N_FEAT // 2), jnp.int32),
            pltpu.VMEM((C, N_FEAT // 2), jnp.int32),
            pltpu.VMEM((C, N_FEAT // 2), jnp.int32),
            pltpu.VMEM((C + 16,), jnp.float32),
            pltpu.VMEM((C + 16,), jnp.float32),
            pltpu.VMEM_SHARED((N_NODES, N_FEAT // 2), jnp.int32),
            pltpu.SemaphoreType.DMA,
            pltpu.SemaphoreType.DMA,
            pltpu.SemaphoreType.DMA,
            pltpu.SemaphoreType.DMA,
            pltpu.SemaphoreType.DMA,
            pltpu.SemaphoreType.DMA,
        ],
    )
    return k(z32, elix)

# --- scband reference (transcript-rebuilt; emitter-appended) ---
"""Pipeline reference for scband-decode-only-10170482556977 (READ-ONLY COPY).

The authoritative reference and input builder live on the scoring server;
editing this copy changes nothing except your own understanding.
"""

import jax, jax.numpy as jnp
import numpy as np

def setup_inputs(seed: int = 0) -> dict:
    key = jax.random.key(seed)
    k1, k2 = jax.random.split(key)
    z = jax.random.normal(k1, (10000, 128), dtype=jnp.float32)
    edge_label_index = jax.random.randint(k2, (2, 320000), 0, 10000, dtype=jnp.int64 if jax.config.jax_enable_x64 else jnp.int32)
    return {"z": z, "edge_label_index": edge_label_index}

def reference(z, edge_label_index):
    # decode: elementwise product of gathered endpoint embeddings, summed over feature dim
    src = jnp.take(z, edge_label_index[0], axis=0)
    dst = jnp.take(z, edge_label_index[1], axis=0)
    return (src * dst).sum(axis=-1)

if __name__ == "__main__":
    import jax
    _d = setup_inputs()
    print(jax.jit(kernel)(*tuple(_d.values())))

</pallas_src>

<mosaic_0001>
#map = affine_map<(d0, d1) -> (0, 0)>
#map1 = affine_map<(d0, d1) -> (0)>
module attributes {stable_mosaic.version = 14 : i64} {
  func.func @_decode_body(%arg0: i32, %arg1: i32, %arg2: memref<10000x64xi32, #tpu.memory_space<hbm>>, %arg3: memref<640000xi32, #tpu.memory_space<hbm>>, %arg4: memref<320000xf32, #tpu.memory_space<hbm>>, %arg5: memref<10000xi32, #tpu.memory_space<vmem>>, %arg6: memref<10000xi32, #tpu.memory_space<vmem>>, %arg7: memref<200x64xi32, #tpu.memory_space<vmem>>, %arg8: memref<200x64xi32, #tpu.memory_space<vmem>>, %arg9: memref<200x64xi32, #tpu.memory_space<vmem>>, %arg10: memref<200x64xi32, #tpu.memory_space<vmem>>, %arg11: memref<216xf32, #tpu.memory_space<vmem>>, %arg12: memref<216xf32, #tpu.memory_space<vmem>>, %arg13: memref<10000x64xi32, #tpu.memory_space<vmem_shared>>, %arg14: memref<!tpu.dma_semaphore, #tpu.memory_space<semaphore_mem>>, %arg15: memref<!tpu.dma_semaphore, #tpu.memory_space<semaphore_mem>>, %arg16: memref<!tpu.dma_semaphore, #tpu.memory_space<semaphore_mem>>, %arg17: memref<!tpu.dma_semaphore, #tpu.memory_space<semaphore_mem>>, %arg18: memref<!tpu.dma_semaphore, #tpu.memory_space<semaphore_mem>>, %arg19: memref<!tpu.dma_semaphore, #tpu.memory_space<semaphore_mem>>) attributes {dimension_semantics = [#tpu.dimension_semantics<core_parallel>, #tpu.dimension_semantics<subcore_parallel>], iteration_bounds = array<i64: 2, 16>, scalar_prefetch = 0 : i64, scratch_operands = 15 : i64, tpu.core_type = #tpu.core_type<sc_vector_subcore>, window_params = [{transform_indices = #map}, {transform_indices = #map1}, {transform_indices = #map1}]} {
    %mul3A = arith.constant 2 : i32
    %mul3A_0 = arith.muli %arg1, %mul3A : i32
    %add3A = arith.addi %mul3A_0, %arg0 : i32
    %mul3A_1 = arith.constant 10000 : i32
    %mul3A_2 = arith.muli %add3A, %mul3A_1 : i32
    %iota3A = tpu.iota {dimensions = array<i32: 0>} : vector<16xi32>
    %dma_start3A = tpu.memref_slice %arg3[%mul3A_2] : memref<640000xi32, #tpu.memory_space<hbm>> -> memref<10000xi32, #tpu.memory_space<hbm>>
    %dma_start3A_3 = tpu.memref_slice %arg3[%mul3A_2] : memref<640000xi32, #tpu.memory_space<hbm>> -> memref<10000xi32, #tpu.memory_space<hbm>>
    tpu.enqueue_dma source(%dma_start3A_3 : memref<10000xi32, #tpu.memory_space<hbm>>) target(%arg5 : memref<10000xi32, #tpu.memory_space<vmem>>) target_semaphore(%arg18 : memref<!tpu.dma_semaphore, #tpu.memory_space<semaphore_mem>>)
    %add3A_4 = arith.constant 320000 : i32
    %add3A_5 = arith.addi %add3A_4, %mul3A_2 : i32
    %dma_start3A_6 = tpu.memref_slice %arg3[%add3A_5] : memref<640000xi32, #tpu.memory_space<hbm>> -> memref<10000xi32, #tpu.memory_space<hbm>>
    %dma_start3A_7 = tpu.memref_slice %arg3[%add3A_5] : memref<640000xi32, #tpu.memory_space<hbm>> -> memref<10000xi32, #tpu.memory_space<hbm>>
    tpu.enqueue_dma source(%dma_start3A_7 : memref<10000xi32, #tpu.memory_space<hbm>>) target(%arg6 : memref<10000xi32, #tpu.memory_space<vmem>>) target_semaphore(%arg19 : memref<!tpu.dma_semaphore, #tpu.memory_space<semaphore_mem>>)
    %mul3A_8 = arith.constant 625 : i32
    %mul3A_9 = arith.muli %arg1, %mul3A_8 : i32
    %mul3A_10 = arith.constant 625 : i32
    %mul3A_11 = arith.muli %arg1, %mul3A_10 : i32
    "tpu.region"() ({
      %run_scoped3A = tpu.sem_alloc : memref<!tpu.dma_semaphore, #tpu.memory_space<semaphore_mem>>
      %dma_start3A_50 = arith.constant 0 : i32
      %dma_start3A_51 = tpu.memref_slice %arg13[%mul3A_11, %dma_start3A_50] : memref<10000x64xi32, #tpu.memory_space<vmem_shared>> -> memref<625x64xi32, #tpu.memory_space<vmem_shared>>
      %dma_start3A_52 = arith.constant 0 : i32
      %dma_start3A_53 = tpu.memref_slice %arg2[%mul3A_9, %dma_start3A_52] : memref<10000x64xi32, #tpu.memory_space<hbm>> -> memref<625x64xi32, #tpu.memory_space<hbm>>
      tpu.enqueue_dma source(%dma_start3A_53 : memref<625x64xi32, #tpu.memory_space<hbm>>) target(%dma_start3A_51 : memref<625x64xi32, #tpu.memory_space<vmem_shared>>) target_semaphore(%run_scoped3A : memref<!tpu.dma_semaphore, #tpu.memory_space<semaphore_mem>>)
      %dma_wait3A_54 = arith.constant 0 : i32
      %dma_wait3A_55 = tpu.memref_slice %arg13[%mul3A_11, %dma_wait3A_54] : memref<10000x64xi32, #tpu.memory_space<vmem_shared>> -> memref<625x64xi32, #tpu.memory_space<vmem_shared>>
      %dma_wait3A_56 = arith.constant 0 : i32
      %dma_wait3A_57 = tpu.memref_slice %arg2[%mul3A_9, %dma_wait3A_56] : memref<10000x64xi32, #tpu.memory_space<hbm>> -> memref<625x64xi32, #tpu.memory_space<hbm>>
      tpu.wait_dma2 semaphore(%run_scoped3A : memref<!tpu.dma_semaphore, #tpu.memory_space<semaphore_mem>>) src(%dma_wait3A_57 : memref<625x64xi32, #tpu.memory_space<hbm>>) dst(%dma_wait3A_55 : memref<625x64xi32, #tpu.memory_space<vmem_shared>>)
      tpu.yield
    }) : () -> ()
    %barrier3A = arith.constant 0 : index
    tpu.barrier barrier_id(%barrier3A)
    %dma_wait3A = arith.constant 0 : i32
    %dma_wait3A_12 = tpu.memref_slice %arg3[%dma_wait3A] : memref<640000xi32, #tpu.memory_space<hbm>> -> memref<10000xi32, #tpu.memory_space<hbm>>
    %dma_wait3A_13 = arith.constant 0 : i32
    %dma_wait3A_14 = tpu.memref_slice %arg3[%dma_wait3A_13] : memref<640000xi32, #tpu.memory_space<hbm>> -> memref<10000xi32, #tpu.memory_space<hbm>>
    tpu.wait_dma2 semaphore(%arg18 : memref<!tpu.dma_semaphore, #tpu.memory_space<semaphore_mem>>) src(%dma_wait3A_14 : memref<10000xi32, #tpu.memory_space<hbm>>) dst(%arg5 : memref<10000xi32, #tpu.memory_space<vmem>>)
    %dma_wait3A_15 = arith.constant 0 : i32
    %dma_wait3A_16 = tpu.memref_slice %arg3[%dma_wait3A_15] : memref<640000xi32, #tpu.memory_space<hbm>> -> memref<10000xi32, #tpu.memory_space<hbm>>
    %dma_wait3A_17 = arith.constant 0 : i32
    %dma_wait3A_18 = tpu.memref_slice %arg3[%dma_wait3A_17] : memref<640000xi32, #tpu.memory_space<hbm>> -> memref<10000xi32, #tpu.memory_space<hbm>>
    tpu.wait_dma2 semaphore(%arg19 : memref<!tpu.dma_semaphore, #tpu.memory_space<semaphore_mem>>) src(%dma_wait3A_18 : memref<10000xi32, #tpu.memory_space<hbm>>) dst(%arg6 : memref<10000xi32, #tpu.memory_space<vmem>>)
    %dma_start3A_19 = arith.constant 0 : i32
    %dma_start3A_20 = tpu.memref_slice %arg5[%dma_start3A_19] : memref<10000xi32, #tpu.memory_space<vmem>> -> memref<200xi32, #tpu.memory_space<vmem>>
    %dma_start3A_21 = arith.constant 0 : i32
    %dma_start3A_22 = arith.constant 0 : i32
    %dma_start3A_23 = tpu.memref_slice %arg13[%dma_start3A_21, %dma_start3A_22] : memref<10000x64xi32, #tpu.memory_space<vmem_shared>> -> memref<10000x64xi32, #tpu.memory_space<vmem_shared>>
    tpu.enqueue_indirect_dma source(%dma_start3A_23 : memref<10000x64xi32, #tpu.memory_space<vmem_shared>>) target(%arg7 : memref<200x64xi32, #tpu.memory_space<vmem>>) offsets(%dma_start3A_20 : memref<200xi32, #tpu.memory_space<vmem>>) semaphore(%arg14 : memref<!tpu.dma_semaphore, #tpu.memory_space<semaphore_mem>>)
    %dma_start3A_24 = arith.constant 0 : i32
    %dma_start3A_25 = tpu.memref_slice %arg6[%dma_start3A_24] : memref<10000xi32, #tpu.memory_space<vmem>> -> memref<200xi32, #tpu.memory_space<vmem>>
    %dma_start3A_26 = arith.constant 0 : i32
    %dma_start3A_27 = arith.constant 0 : i32
    %dma_start3A_28 = tpu.memref_slice %arg13[%dma_start3A_26, %dma_start3A_27] : memref<10000x64xi32, #tpu.memory_space<vmem_shared>> -> memref<10000x64xi32, #tpu.memory_space<vmem_shared>>
    tpu.enqueue_indirect_dma source(%dma_start3A_28 : memref<10000x64xi32, #tpu.memory_space<vmem_shared>>) target(%arg9 : memref<200x64xi32, #tpu.memory_space<vmem>>) offsets(%dma_start3A_25 : memref<200xi32, #tpu.memory_space<vmem>>) semaphore(%arg16 : memref<!tpu.dma_semaphore, #tpu.memory_space<semaphore_mem>>)
    %scan3A = arith.constant 0 : i32
    %scan3A_29 = arith.constant 0 : i32
    %scan3A_30 = arith.constant 25 : i32
    %scan3A_31 = arith.addi %scan3A_29, %scan3A_30 : i32
    %scan3A_32 = arith.constant 1 : i32
    scf.for %scan3A_50 = %scan3A_29 to %scan3A_31 step %scan3A_32  : i32 {
      %mul3A_51 = arith.constant 2 : i32
      %mul3A_52 = arith.muli %scan3A_50, %mul3A_51 : i32
      %add3A_53 = arith.constant 1 : i32
      %add3A_54 = arith.addi %mul3A_52, %add3A_53 : i32
      %mul3A_55 = arith.constant 200 : i32
      %mul3A_56 = arith.muli %add3A_54, %mul3A_55 : i32
      %dma_start3A_57 = tpu.memref_slice %arg5[%mul3A_56] : memref<10000xi32, #tpu.memory_space<vmem>> -> memref<200xi32, #tpu.memory_space<vmem>>
      %dma_start3A_58 = arith.constant 0 : i32
      %dma_start3A_59 = arith.constant 0 : i32
      %dma_start3A_60 = tpu.memref_slice %arg13[%dma_start3A_58, %dma_start3A_59] : memref<10000x64xi32, #tpu.memory_space<vmem_shared>> -> memref<10000x64xi32, #tpu.memory_space<vmem_shared>>
      tpu.enqueue_indirect_dma source(%dma_start3A_60 : memref<10000x64xi32, #tpu.memory_space<vmem_shared>>) target(%arg8 : memref<200x64xi32, #tpu.memory_space<vmem>>) offsets(%dma_start3A_57 : memref<200xi32, #tpu.memory_space<vmem>>) semaphore(%arg15 : memref<!tpu.dma_semaphore, #tpu.memory_space<semaphore_mem>>)
      %mul3A_61 = arith.constant 200 : i32
      %mul3A_62 = arith.muli %add3A_54, %mul3A_61 : i32
      %dma_start3A_63 = tpu.memref_slice %arg6[%mul3A_62] : memref<10000xi32, #tpu.memory_space<vmem>> -> memref<200xi32, #tpu.memory_space<vmem>>
      %dma_start3A_64 = arith.constant 0 : i32
      %dma_start3A_65 = arith.constant 0 : i32
      %dma_start3A_66 = tpu.memref_slice %arg13[%dma_start3A_64, %dma_start3A_65] : memref<10000x64xi32, #tpu.memory_space<vmem_shared>> -> memref<10000x64xi32, #tpu.memory_space<vmem_shared>>
      tpu.enqueue_indirect_dma source(%dma_start3A_66 : memref<10000x64xi32, #tpu.memory_space<vmem_shared>>) target(%arg10 : memref<200x64xi32, #tpu.memory_space<vmem>>) offsets(%dma_start3A_63 : memref<200xi32, #tpu.memory_space<vmem>>) semaphore(%arg17 : memref<!tpu.dma_semaphore, #tpu.memory_space<semaphore_mem>>)
      %dma_wait3A_67 = arith.constant 0 : i32
      %dma_wait3A_68 = arith.constant 0 : i32
      %dma_wait3A_69 = tpu.memref_slice %arg2[%dma_wait3A_67, %dma_wait3A_68] : memref<10000x64xi32, #tpu.memory_space<hbm>> -> memref<200x64xi32, #tpu.memory_space<hbm>>
      %dma_wait3A_70 = arith.constant 0 : i32
      %dma_wait3A_71 = arith.constant 0 : i32
      %dma_wait3A_72 = tpu.memref_slice %arg2[%dma_wait3A_70, %dma_wait3A_71] : memref<10000x64xi32, #tpu.memory_space<hbm>> -> memref<200x64xi32, #tpu.memory_space<hbm>>
      tpu.wait_dma2 semaphore(%arg14 : memref<!tpu.dma_semaphore, #tpu.memory_space<semaphore_mem>>) src(%dma_wait3A_72 : memref<200x64xi32, #tpu.memory_space<hbm>>) dst(%arg7 : memref<200x64xi32, #tpu.memory_space<vmem>>)
      %dma_wait3A_73 = arith.constant 0 : i32
      %dma_wait3A_74 = arith.constant 0 : i32
      %dma_wait3A_75 = tpu.memref_slice %arg2[%dma_wait3A_73, %dma_wait3A_74] : memref<10000x64xi32, #tpu.memory_space<hbm>> -> memref<200x64xi32, #tpu.memory_space<hbm>>
      %dma_wait3A_76 = arith.constant 0 : i32
      %dma_wait3A_77 = arith.constant 0 : i32
      %dma_wait3A_78 = tpu.memref_slice %arg2[%dma_wait3A_76, %dma_wait3A_77] : memref<10000x64xi32, #tpu.memory_space<hbm>> -> memref<200x64xi32, #tpu.memory_space<hbm>>
      tpu.wait_dma2 semaphore(%arg16 : memref<!tpu.dma_semaphore, #tpu.memory_space<semaphore_mem>>) src(%dma_wait3A_78 : memref<200x64xi32, #tpu.memory_space<hbm>>) dst(%arg9 : memref<200x64xi32, #tpu.memory_space<vmem>>)
      %eq3A = arith.constant 15 : i32
      %eq3A_79 = vector.broadcast %eq3A : i32 to vector<16xi32>
      %eq3A_80 = arith.cmpi eq, %iota3A, %eq3A_79 : vector<16xi32>
      %ge3A = arith.constant 2 : i32
      %ge3A_81 = arith.cmpi sge, %mul3A_52, %ge3A : i32
      %convert_element_type3A = arith.extui %ge3A_81 : i1 to i32
      %cond3A = arith.constant 0 : i32
      %cond3A_82 = arith.cmpi ne, %convert_element_type3A, %cond3A : i32
      scf.if %cond3A_82 {
        %dma_wait3A_134 = arith.constant 0 : i32
        %dma_wait3A_135 = tpu.memref_slice %arg11[%dma_wait3A_134] : memref<216xf32, #tpu.memory_space<vmem>> -> memref<200xf32, #tpu.memory_space<vmem>>
        %dma_wait3A_136 = arith.constant 0 : i32
        %dma_wait3A_137 = tpu.memref_slice %arg4[%dma_wait3A_136] : memref<320000xf32, #tpu.memory_space<hbm>> -> memref<200xf32, #tpu.memory_space<hbm>>
        %dma_wait3A_138 = arith.constant 0 : i32
        %dma_wait3A_139 = tpu.memref_slice %arg4[%dma_wait3A_138] : memref<320000xf32, #tpu.memory_space<hbm>> -> memref<200xf32, #tpu.memory_space<hbm>>
        %dma_wait3A_140 = arith.constant 0 : i32
        %dma_wait3A_141 = tpu.memref_slice %arg11[%dma_wait3A_140] : memref<216xf32, #tpu.memory_space<vmem>> -> memref<200xf32, #tpu.memory_space<vmem>>
        tpu.wait_dma2 semaphore(%arg18 : memref<!tpu.dma_semaphore, #tpu.memory_space<semaphore_mem>>) src(%dma_wait3A_141 : memref<200xf32, #tpu.memory_space<vmem>>) dst(%dma_wait3A_139 : memref<200xf32, #tpu.memory_space<hbm>>)
      } else {
      }
      %parallel_loop3A = arith.constant 0 : i32
      %parallel_loop3A_83 = arith.constant 200 : i32
      %parallel_loop3A_84 = arith.constant 1 : i32
      scf.for %parallel_loop3A_134 = %parallel_loop3A to %parallel_loop3A_83 step %parallel_loop3A_84  : i32 {
        %parallel_loop3A_135 = arith.index_cast %parallel_loop3A_134 : i32 to index
        %parallel_loop3A_136 = arith.constant 0 : index
        %parallel_loop3A_137 = tpu.vector_load %arg7[%parallel_loop3A_135, %parallel_loop3A_136] {strides = array<i32>} : memref<200x64xi32, #tpu.memory_space<vmem>>, vector<16xi32>,
        %parallel_loop3A_138 = vector.bitcast %parallel_loop3A_137 : vector<16xi32> to vector<32xbf16>
        %parallel_loop3A_139 = arith.index_cast %parallel_loop3A_134 : i32 to index
        %parallel_loop3A_140 = arith.constant 0 : index
        %parallel_loop3A_141 = tpu.vector_load %arg9[%parallel_loop3A_139, %parallel_loop3A_140] {strides = array<i32>} : memref<200x64xi32, #tpu.memory_space<vmem>>, vector<16xi32>,
        %parallel_loop3A_142 = vector.bitcast %parallel_loop3A_141 : vector<16xi32> to vector<32xbf16>
        %parallel_loop3A_143 = arith.mulf %parallel_loop3A_138, %parallel_loop3A_142 : vector<32xbf16>
        %parallel_loop3A_144 = arith.index_cast %parallel_loop3A_134 : i32 to index
        %parallel_loop3A_145 = arith.constant 16 : index
        %parallel_loop3A_146 = tpu.vector_load %arg7[%parallel_loop3A_144, %parallel_loop3A_145] {strides = array<i32>} : memref<200x64xi32, #tpu.memory_space<vmem>>, vector<16xi32>,
        %parallel_loop3A_147 = vector.bitcast %parallel_loop3A_146 : vector<16xi32> to vector<32xbf16>
        %parallel_loop3A_148 = arith.index_cast %parallel_loop3A_134 : i32 to index
        %parallel_loop3A_149 = arith.constant 16 : index
        %parallel_loop3A_150 = tpu.vector_load %arg9[%parallel_loop3A_148, %parallel_loop3A_149] {strides = array<i32>} : memref<200x64xi32, #tpu.memory_space<vmem>>, vector<16xi32>,
        %parallel_loop3A_151 = vector.bitcast %parallel_loop3A_150 : vector<16xi32> to vector<32xbf16>
        %parallel_loop3A_152 = arith.mulf %parallel_loop3A_147, %parallel_loop3A_151 : vector<32xbf16>
        %parallel_loop3A_153 = arith.index_cast %parallel_loop3A_134 : i32 to index
        %parallel_loop3A_154 = arith.constant 32 : index
        %parallel_loop3A_155 = tpu.vector_load %arg7[%parallel_loop3A_153, %parallel_loop3A_154] {strides = array<i32>} : memref<200x64xi32, #tpu.memory_space<vmem>>, vector<16xi32>,
        %parallel_loop3A_156 = vector.bitcast %parallel_loop3A_155 : vector<16xi32> to vector<32xbf16>
        %parallel_loop3A_157 = arith.index_cast %parallel_loop3A_134 : i32 to index
        %parallel_loop3A_158 = arith.constant 32 : index
        %parallel_loop3A_159 = tpu.vector_load %arg9[%parallel_loop3A_157, %parallel_loop3A_158] {strides = array<i32>} : memref<200x64xi32, #tpu.memory_space<vmem>>, vector<16xi32>,
        %parallel_loop3A_160 = vector.bitcast %parallel_loop3A_159 : vector<16xi32> to vector<32xbf16>
        %parallel_loop3A_161 = arith.mulf %parallel_loop3A_156, %parallel_loop3A_160 : vector<32xbf16>
        %parallel_loop3A_162 = arith.index_cast %parallel_loop3A_134 : i32 to index
        %parallel_loop3A_163 = arith.constant 48 : index
        %parallel_loop3A_164 = tpu.vector_load %arg7[%parallel_loop3A_162, %parallel_loop3A_163] {strides = array<i32>} : memref<200x64xi32, #tpu.memory_space<vmem>>, vector<16xi32>,
        %parallel_loop3A_165 = vector.bitcast %parallel_loop3A_164 : vector<16xi32> to vector<32xbf16>
        %parallel_loop3A_166 = arith.index_cast %parallel_loop3A_134 : i32 to index
        %parallel_loop3A_167 = arith.constant 48 : index
        %parallel_loop3A_168 = tpu.vector_load %arg9[%parallel_loop3A_166, %parallel_loop3A_167] {strides = array<i32>} : memref<200x64xi32, #tpu.memory_space<vmem>>, vector<16xi32>,
        %parallel_loop3A_169 = vector.bitcast %parallel_loop3A_168 : vector<16xi32> to vector<32xbf16>
        %parallel_loop3A_170 = arith.mulf %parallel_loop3A_165, %parallel_loop3A_169 : vector<32xbf16>
        %parallel_loop3A_171 = arith.addf %parallel_loop3A_143, %parallel_loop3A_152 : vector<32xbf16>
        %parallel_loop3A_172 = arith.addf %parallel_loop3A_161, %parallel_loop3A_170 : vector<32xbf16>
        %parallel_loop3A_173 = tpu.unpack_subelements %parallel_loop3A_171, 0 {pack_format = #tpu.pack_format<interleaved>} : vector<32xbf16> -> vector<16xf32>
        %parallel_loop3A_174 = tpu.unpack_subelements %parallel_loop3A_171, 1 {pack_format = #tpu.pack_format<interleaved>} : vector<32xbf16> -> vector<16xf32>
        %parallel_loop3A_175 = tpu.unpack_subelements %parallel_loop3A_172, 0 {pack_format = #tpu.pack_format<interleaved>} : vector<32xbf16> -> vector<16xf32>
        %parallel_loop3A_176 = tpu.unpack_subelements %parallel_loop3A_172, 1 {pack_format = #tpu.pack_format<interleaved>} : vector<32xbf16> -> vector<16xf32>
        %parallel_loop3A_177 = arith.addf %parallel_loop3A_173, %parallel_loop3A_174 : vector<16xf32>
        %parallel_loop3A_178 = arith.addf %parallel_loop3A_175, %parallel_loop3A_176 : vector<16xf32>
        %parallel_loop3A_179 = arith.addf %parallel_loop3A_177, %parallel_loop3A_178 : vector<16xf32>
        %parallel_loop3A_180 = arith.constant true
        %parallel_loop3A_181 = vector.broadcast %parallel_loop3A_180 : i1 to vector<16xi1>
        %parallel_loop3A_182 = tpu.scan <sum>, %parallel_loop3A_179 masked %parallel_loop3A_181 : vector<16xf32>, vector<16xi1> -> vector<16xf32>
        %parallel_loop3A_183 = arith.index_cast %parallel_loop3A_134 : i32 to index
        %parallel_loop3A_184 = tpu.vector_load %arg11[%parallel_loop3A_183] masked %eq3A_80 {strides = array<i32>} : memref<216xf32, #tpu.memory_space<vmem>>, vector<16xf32>, vector<16xi1>
        tpu.vector_store %arg11[%parallel_loop3A_183], %parallel_loop3A_182 masked %eq3A_80 {strides = array<i32>} : memref<216xf32, #tpu.memory_space<vmem>>, vector<16xf32>, vector<16xi1>
      } {sc.loop_unroll_factor = 8 : i64, sc.parallel_access}
      %mul3A_85 = arith.constant 200 : i32
      %mul3A_86 = arith.muli %mul3A_52, %mul3A_85 : i32
      %add3A_87 = arith.addi %mul3A_2, %mul3A_86 : i32
      %dma_start3A_88 = arith.constant 0 : i32
      %dma_start3A_89 = tpu.memref_slice %arg11[%dma_start3A_88] : memref<216xf32, #tpu.memory_space<vmem>> -> memref<200xf32, #tpu.memory_space<vmem>>
      %dma_start3A_90 = tpu.memref_slice %arg4[%add3A_87] : memref<320000xf32, #tpu.memory_space<hbm>> -> memref<200xf32, #tpu.memory_space<hbm>>
      %dma_start3A_91 = tpu.memref_slice %arg4[%add3A_87] : memref<320000xf32, #tpu.memory_space<hbm>> -> memref<200xf32, #tpu.memory_space<hbm>>
      %dma_start3A_92 = arith.constant 0 : i32
      %dma_start3A_93 = tpu.memref_slice %arg11[%dma_start3A_92] : memref<216xf32, #tpu.memory_space<vmem>> -> memref<200xf32, #tpu.memory_space<vmem>>
      tpu.enqueue_dma source(%dma_start3A_93 : memref<200xf32, #tpu.memory_space<vmem>>) target(%dma_start3A_91 : memref<200xf32, #tpu.memory_space<hbm>>) target_semaphore(%arg18 : memref<!tpu.dma_semaphore, #tpu.memory_space<semaphore_mem>>)
      %add3A_94 = arith.constant 2 : i32
      %add3A_95 = arith.addi %mul3A_52, %add3A_94 : i32
      %lt3A = arith.constant 50 : i32
      %lt3A_96 = arith.cmpi slt, %add3A_95, %lt3A : i32
      %convert_element_type3A_97 = arith.extui %lt3A_96 : i1 to i32
      %cond3A_98 = arith.constant 0 : i32
      %cond3A_99 = arith.cmpi ne, %convert_element_type3A_97, %cond3A_98 : i32
      scf.if %cond3A_99 {
        %add3A_134 = arith.constant 2 : i32
        %add3A_135 = arith.addi %mul3A_52, %add3A_134 : i32
        %mul3A_136 = arith.constant 200 : i32
        %mul3A_137 = arith.muli %add3A_135, %mul3A_136 : i32
        %dma_start3A_138 = tpu.memref_slice %arg5[%mul3A_137] : memref<10000xi32, #tpu.memory_space<vmem>> -> memref<200xi32, #tpu.memory_space<vmem>>
        %dma_start3A_139 = arith.constant 0 : i32
        %dma_start3A_140 = arith.constant 0 : i32
        %dma_start3A_141 = tpu.memref_slice %arg13[%dma_start3A_139, %dma_start3A_140] : memref<10000x64xi32, #tpu.memory_space<vmem_shared>> -> memref<10000x64xi32, #tpu.memory_space<vmem_shared>>
        tpu.enqueue_indirect_dma source(%dma_start3A_141 : memref<10000x64xi32, #tpu.memory_space<vmem_shared>>) target(%arg7 : memref<200x64xi32, #tpu.memory_space<vmem>>) offsets(%dma_start3A_138 : memref<200xi32, #tpu.memory_space<vmem>>) semaphore(%arg14 : memref<!tpu.dma_semaphore, #tpu.memory_space<semaphore_mem>>)
        %mul3A_142 = arith.constant 200 : i32
        %mul3A_143 = arith.muli %add3A_135, %mul3A_142 : i32
        %dma_start3A_144 = tpu.memref_slice %arg6[%mul3A_143] : memref<10000xi32, #tpu.memory_space<vmem>> -> memref<200xi32, #tpu.memory_space<vmem>>
        %dma_start3A_145 = arith.constant 0 : i32
        %dma_start3A_146 = arith.constant 0 : i32
        %dma_start3A_147 = tpu.memref_slice %arg13[%dma_start3A_145, %dma_start3A_146] : memref<10000x64xi32, #tpu.memory_space<vmem_shared>> -> memref<10000x64xi32, #tpu.memory_space<vmem_shared>>
        tpu.enqueue_indirect_dma source(%dma_start3A_147 : memref<10000x64xi32, #tpu.memory_space<vmem_shared>>) target(%arg9 : memref<200x64xi32, #tpu.memory_space<vmem>>) offsets(%dma_start3A_144 : memref<200xi32, #tpu.memory_space<vmem>>) semaphore(%arg16 : memref<!tpu.dma_semaphore, #tpu.memory_space<semaphore_mem>>)
      } else {
      }
      %dma_wait3A_100 = arith.constant 0 : i32
      %dma_wait3A_101 = arith.constant 0 : i32
      %dma_wait3A_102 = tpu.memref_slice %arg2[%dma_wait3A_100, %dma_wait3A_101] : memref<10000x64xi32, #tpu.memory_space<hbm>> -> memref<200x64xi32, #tpu.memory_space<hbm>>
      %dma_wait3A_103 = arith.constant 0 : i32
      %dma_wait3A_104 = arith.constant 0 : i32
      %dma_wait3A_105 = tpu.memref_slice %arg2[%dma_wait3A_103, %dma_wait3A_104] : memref<10000x64xi32, #tpu.memory_space<hbm>> -> memref<200x64xi32, #tpu.memory_space<hbm>>
      tpu.wait_dma2 semaphore(%arg15 : memref<!tpu.dma_semaphore, #tpu.memory_space<semaphore_mem>>) src(%dma_wait3A_105 : memref<200x64xi32, #tpu.memory_space<hbm>>) dst(%arg8 : memref<200x64xi32, #tpu.memory_space<vmem>>)
      %dma_wait3A_106 = arith.constant 0 : i32
      %dma_wait3A_107 = arith.constant 0 : i32
      %dma_wait3A_108 = tpu.memref_slice %arg2[%dma_wait3A_106, %dma_wait3A_107] : memref<10000x64xi32, #tpu.memory_space<hbm>> -> memref<200x64xi32, #tpu.memory_space<hbm>>
      %dma_wait3A_109 = arith.constant 0 : i32
      %dma_wait3A_110 = arith.constant 0 : i32
      %dma_wait3A_111 = tpu.memref_slice %arg2[%dma_wait3A_109, %dma_wait3A_110] : memref<10000x64xi32, #tpu.memory_space<hbm>> -> memref<200x64xi32, #tpu.memory_space<hbm>>
      tpu.wait_dma2 semaphore(%arg17 : memref<!tpu.dma_semaphore, #tpu.memory_space<semaphore_mem>>) src(%dma_wait3A_111 : memref<200x64xi32, #tpu.memory_space<hbm>>) dst(%arg10 : memref<200x64xi32, #tpu.memory_space<vmem>>)
      %add3A_112 = arith.constant 1 : i32
      %add3A_113 = arith.addi %mul3A_52, %add3A_112 : i32
      %eq3A_114 = arith.constant 15 : i32
      %eq3A_115 = vector.broadcast %eq3A_114 : i32 to vector<16xi32>
      %eq3A_116 = arith.cmpi eq, %iota3A, %eq3A_115 : vector<16xi32>
      %ge3A_117 = arith.constant 2 : i32
      %ge3A_118 = arith.cmpi sge, %add3A_113, %ge3A_117 : i32
      %convert_element_type3A_119 = arith.extui %ge3A_118 : i1 to i32
      %cond3A_120 = arith.constant 0 : i32
      %cond3A_121 = arith.cmpi ne, %convert_element_type3A_119, %cond3A_120 : i32
      scf.if %cond3A_121 {
        %dma_wait3A_134 = arith.constant 0 : i32
        %dma_wait3A_135 = tpu.memref_slice %arg12[%dma_wait3A_134] : memref<216xf32, #tpu.memory_space<vmem>> -> memref<200xf32, #tpu.memory_space<vmem>>
        %dma_wait3A_136 = arith.constant 0 : i32
        %dma_wait3A_137 = tpu.memref_slice %arg4[%dma_wait3A_136] : memref<320000xf32, #tpu.memory_space<hbm>> -> memref<200xf32, #tpu.memory_space<hbm>>
        %dma_wait3A_138 = arith.constant 0 : i32
        %dma_wait3A_139 = tpu.memref_slice %arg4[%dma_wait3A_138] : memref<320000xf32, #tpu.memory_space<hbm>> -> memref<200xf32, #tpu.memory_space<hbm>>
        %dma_wait3A_140 = arith.constant 0 : i32
        %dma_wait3A_141 = tpu.memref_slice %arg12[%dma_wait3A_140] : memref<216xf32, #tpu.memory_space<vmem>> -> memref<200xf32, #tpu.memory_space<vmem>>
        tpu.wait_dma2 semaphore(%arg19 : memref<!tpu.dma_semaphore, #tpu.memory_space<semaphore_mem>>) src(%dma_wait3A_141 : memref<200xf32, #tpu.memory_space<vmem>>) dst(%dma_wait3A_139 : memref<200xf32, #tpu.memory_space<hbm>>)
      } else {
      }
      %parallel_loop3A_122 = arith.constant 0 : i32
      %parallel_loop3A_123 = arith.constant 200 : i32
      %parallel_loop3A_124 = arith.constant 1 : i32
      scf.for %parallel_loop3A_134 = %parallel_loop3A_122 to %parallel_loop3A_123 step %parallel_loop3A_124  : i32 {
        %parallel_loop3A_135 = arith.index_cast %parallel_loop3A_134 : i32 to index
        %parallel_loop3A_136 = arith.constant 0 : index
        %parallel_loop3A_137 = tpu.vector_load %arg8[%parallel_loop3A_135, %parallel_loop3A_136] {strides = array<i32>} : memref<200x64xi32, #tpu.memory_space<vmem>>, vector<16xi32>,
        %parallel_loop3A_138 = vector.bitcast %parallel_loop3A_137 : vector<16xi32> to vector<32xbf16>
        %parallel_loop3A_139 = arith.index_cast %parallel_loop3A_134 : i32 to index
        %parallel_loop3A_140 = arith.constant 0 : index
        %parallel_loop3A_141 = tpu.vector_load %arg10[%parallel_loop3A_139, %parallel_loop3A_140] {strides = array<i32>} : memref<200x64xi32, #tpu.memory_space<vmem>>, vector<16xi32>,
        %parallel_loop3A_142 = vector.bitcast %parallel_loop3A_141 : vector<16xi32> to vector<32xbf16>
        %parallel_loop3A_143 = arith.mulf %parallel_loop3A_138, %parallel_loop3A_142 : vector<32xbf16>
        %parallel_loop3A_144 = arith.index_cast %parallel_loop3A_134 : i32 to index
        %parallel_loop3A_145 = arith.constant 16 : index
        %parallel_loop3A_146 = tpu.vector_load %arg8[%parallel_loop3A_144, %parallel_loop3A_145] {strides = array<i32>} : memref<200x64xi32, #tpu.memory_space<vmem>>, vector<16xi32>,
        %parallel_loop3A_147 = vector.bitcast %parallel_loop3A_146 : vector<16xi32> to vector<32xbf16>
        %parallel_loop3A_148 = arith.index_cast %parallel_loop3A_134 : i32 to index
        %parallel_loop3A_149 = arith.constant 16 : index
        %parallel_loop3A_150 = tpu.vector_load %arg10[%parallel_loop3A_148, %parallel_loop3A_149] {strides = array<i32>} : memref<200x64xi32, #tpu.memory_space<vmem>>, vector<16xi32>,
        %parallel_loop3A_151 = vector.bitcast %parallel_loop3A_150 : vector<16xi32> to vector<32xbf16>
        %parallel_loop3A_152 = arith.mulf %parallel_loop3A_147, %parallel_loop3A_151 : vector<32xbf16>
        %parallel_loop3A_153 = arith.index_cast %parallel_loop3A_134 : i32 to index
        %parallel_loop3A_154 = arith.constant 32 : index
        %parallel_loop3A_155 = tpu.vector_load %arg8[%parallel_loop3A_153, %parallel_loop3A_154] {strides = array<i32>} : memref<200x64xi32, #tpu.memory_space<vmem>>, vector<16xi32>,
        %parallel_loop3A_156 = vector.bitcast %parallel_loop3A_155 : vector<16xi32> to vector<32xbf16>
        %parallel_loop3A_157 = arith.index_cast %parallel_loop3A_134 : i32 to index
        %parallel_loop3A_158 = arith.constant 32 : index
        %parallel_loop3A_159 = tpu.vector_load %arg10[%parallel_loop3A_157, %parallel_loop3A_158] {strides = array<i32>} : memref<200x64xi32, #tpu.memory_space<vmem>>, vector<16xi32>,
        %parallel_loop3A_160 = vector.bitcast %parallel_loop3A_159 : vector<16xi32> to vector<32xbf16>
        %parallel_loop3A_161 = arith.mulf %parallel_loop3A_156, %parallel_loop3A_160 : vector<32xbf16>
        %parallel_loop3A_162 = arith.index_cast %parallel_loop3A_134 : i32 to index
        %parallel_loop3A_163 = arith.constant 48 : index
        %parallel_loop3A_164 = tpu.vector_load %arg8[%parallel_loop3A_162, %parallel_loop3A_163] {strides = array<i32>} : memref<200x64xi32, #tpu.memory_space<vmem>>, vector<16xi32>,
        %parallel_loop3A_165 = vector.bitcast %parallel_loop3A_164 : vector<16xi32> to vector<32xbf16>
        %parallel_loop3A_166 = arith.index_cast %parallel_loop3A_134 : i32 to index
        %parallel_loop3A_167 = arith.constant 48 : index
        %parallel_loop3A_168 = tpu.vector_load %arg10[%parallel_loop3A_166, %parallel_loop3A_167] {strides = array<i32>} : memref<200x64xi32, #tpu.memory_space<vmem>>, vector<16xi32>,
        %parallel_loop3A_169 = vector.bitcast %parallel_loop3A_168 : vector<16xi32> to vector<32xbf16>
        %parallel_loop3A_170 = arith.mulf %parallel_loop3A_165, %parallel_loop3A_169 : vector<32xbf16>
        %parallel_loop3A_171 = arith.addf %parallel_loop3A_143, %parallel_loop3A_152 : vector<32xbf16>
        %parallel_loop3A_172 = arith.addf %parallel_loop3A_161, %parallel_loop3A_170 : vector<32xbf16>
        %parallel_loop3A_173 = tpu.unpack_subelements %parallel_loop3A_171, 0 {pack_format = #tpu.pack_format<interleaved>} : vector<32xbf16> -> vector<16xf32>
        %parallel_loop3A_174 = tpu.unpack_subelements %parallel_loop3A_171, 1 {pack_format = #tpu.pack_format<interleaved>} : vector<32xbf16> -> vector<16xf32>
        %parallel_loop3A_175 = tpu.unpack_subelements %parallel_loop3A_172, 0 {pack_format = #tpu.pack_format<interleaved>} : vector<32xbf16> -> vector<16xf32>
        %parallel_loop3A_176 = tpu.unpack_subelements %parallel_loop3A_172, 1 {pack_format = #tpu.pack_format<interleaved>} : vector<32xbf16> -> vector<16xf32>
        %parallel_loop3A_177 = arith.addf %parallel_loop3A_173, %parallel_loop3A_174 : vector<16xf32>
        %parallel_loop3A_178 = arith.addf %parallel_loop3A_175, %parallel_loop3A_176 : vector<16xf32>
        %parallel_loop3A_179 = arith.addf %parallel_loop3A_177, %parallel_loop3A_178 : vector<16xf32>
        %parallel_loop3A_180 = arith.constant true
        %parallel_loop3A_181 = vector.broadcast %parallel_loop3A_180 : i1 to vector<16xi1>
        %parallel_loop3A_182 = tpu.scan <sum>, %parallel_loop3A_179 masked %parallel_loop3A_181 : vector<16xf32>, vector<16xi1> -> vector<16xf32>
        %parallel_loop3A_183 = arith.index_cast %parallel_loop3A_134 : i32 to index
        %parallel_loop3A_184 = tpu.vector_load %arg12[%parallel_loop3A_183] masked %eq3A_116 {strides = array<i32>} : memref<216xf32, #tpu.memory_space<vmem>>, vector<16xf32>, vector<16xi1>
        tpu.vector_store %arg12[%parallel_loop3A_183], %parallel_loop3A_182 masked %eq3A_116 {strides = array<i32>} : memref<216xf32, #tpu.memory_space<vmem>>, vector<16xf32>, vector<16xi1>
      } {sc.loop_unroll_factor = 8 : i64, sc.parallel_access}
      %mul3A_125 = arith.constant 200 : i32
      %mul3A_126 = arith.muli %add3A_113, %mul3A_125 : i32
      %add3A_127 = arith.addi %mul3A_2, %mul3A_126 : i32
      %dma_start3A_128 = arith.constant 0 : i32
      %dma_start3A_129 = tpu.memref_slice %arg12[%dma_start3A_128] : memref<216xf32, #tpu.memory_space<vmem>> -> memref<200xf32, #tpu.memory_space<vmem>>
      %dma_start3A_130 = tpu.memref_slice %arg4[%add3A_127] : memref<320000xf32, #tpu.memory_space<hbm>> -> memref<200xf32, #tpu.memory_space<hbm>>
      %dma_start3A_131 = tpu.memref_slice %arg4[%add3A_127] : memref<320000xf32, #tpu.memory_space<hbm>> -> memref<200xf32, #tpu.memory_space<hbm>>
      %dma_start3A_132 = arith.constant 0 : i32
      %dma_start3A_133 = tpu.memref_slice %arg12[%dma_start3A_132] : memref<216xf32, #tpu.memory_space<vmem>> -> memref<200xf32, #tpu.memory_space<vmem>>
      tpu.enqueue_dma source(%dma_start3A_133 : memref<200xf32, #tpu.memory_space<vmem>>) target(%dma_start3A_131 : memref<200xf32, #tpu.memory_space<hbm>>) target_semaphore(%arg19 : memref<!tpu.dma_semaphore, #tpu.memory_space<semaphore_mem>>)
    }
    %scan3A_33 = arith.constant 25 : i32
    %dma_wait3A_34 = arith.constant 0 : i32
    %dma_wait3A_35 = tpu.memref_slice %arg11[%dma_wait3A_34] : memref<216xf32, #tpu.memory_space<vmem>> -> memref<200xf32, #tpu.memory_space<vmem>>
    %dma_wait3A_36 = arith.constant 0 : i32
    %dma_wait3A_37 = tpu.memref_slice %arg4[%dma_wait3A_36] : memref<320000xf32, #tpu.memory_space<hbm>> -> memref<200xf32, #tpu.memory_space<hbm>>
    %dma_wait3A_38 = arith.constant 0 : i32
    %dma_wait3A_39 = tpu.memref_slice %arg4[%dma_wait3A_38] : memref<320000xf32, #tpu.memory_space<hbm>> -> memref<200xf32, #tpu.memory_space<hbm>>
    %dma_wait3A_40 = arith.constant 0 : i32
    %dma_wait3A_41 = tpu.memref_slice %arg11[%dma_wait3A_40] : memref<216xf32, #tpu.memory_space<vmem>> -> memref<200xf32, #tpu.memory_space<vmem>>
    tpu.wait_dma2 semaphore(%arg18 : memref<!tpu.dma_semaphore, #tpu.memory_space<semaphore_mem>>) src(%dma_wait3A_41 : memref<200xf32, #tpu.memory_space<vmem>>) dst(%dma_wait3A_39 : memref<200xf32, #tpu.memory_space<hbm>>)
    %dma_wait3A_42 = arith.constant 0 : i32
    %dma_wait3A_43 = tpu.memref_slice %arg12[%dma_wait3A_42] : memref<216xf32, #tpu.memory_space<vmem>> -> memref<200xf32, #tpu.memory_space<vmem>>
    %dma_wait3A_44 = arith.constant 0 : i32
    %dma_wait3A_45 = tpu.memref_slice %arg4[%dma_wait3A_44] : memref<320000xf32, #tpu.memory_space<hbm>> -> memref<200xf32, #tpu.memory_space<hbm>>
    %dma_wait3A_46 = arith.constant 0 : i32
    %dma_wait3A_47 = tpu.memref_slice %arg4[%dma_wait3A_46] : memref<320000xf32, #tpu.memory_space<hbm>> -> memref<200xf32, #tpu.memory_space<hbm>>
    %dma_wait3A_48 = arith.constant 0 : i32
    %dma_wait3A_49 = tpu.memref_slice %arg12[%dma_wait3A_48] : memref<216xf32, #tpu.memory_space<vmem>> -> memref<200xf32, #tpu.memory_space<vmem>>
    tpu.wait_dma2 semaphore(%arg19 : memref<!tpu.dma_semaphore, #tpu.memory_space<semaphore_mem>>) src(%dma_wait3A_49 : memref<200xf32, #tpu.memory_space<vmem>>) dst(%dma_wait3A_47 : memref<200xf32, #tpu.memory_space<hbm>>)
    return
  }
}

</mosaic_0001>

<sc_bundles>
// kernel: kernel.3.cloned.1.call-start
scs
__scs_entry_jumppad:
0x0: {  	(pc) =	sbr.rel $0x88, $3  }
0x1: {  	(tag) =	ssettag $0x0;
	lr =	simm.s32 $0x1  }
0x2: {  	[smem:$0x3F9F] =	sst lr;
	_ =	strace $0xD0000000  }
0x3: {  	_ = 	snop  }
0x4: {  	_ = 	snop  }
0x5: {  	_ = 	snop  }
0x6: {  	_ = 	snop  }
0x7: {  	_ = 	snop  }
__scs_overlays_trampoline_lowered:
0x8: {  	[smem:$0x3FAE] =	sst s0  }
0x9: {  	[smem:$0x3FAF] =	sst s1  }
0xa: {  	[smem:$0x3FB0] =	sst s2  }
0xb: {  	[smem:$0x3FB1] =	sst s3  }
0xc: {  	[smem:$0x3FB2] =	sst s4  }
0xd: {  	[smem:$0x3FB3] =	sst s5  }
0xe: {  	[smem:$0x3FB4] =	sst s6  }
0xf: {  	[smem:$0x3FB5] =	sst s7  }
0x10: {  	[smem:$0x3FB6] =	sst s8  }
0x11: {  	[smem:$0x3FB7] =	sst s9;
	s0 =	simm.s32 @!p0 $0x0  }
0x12: {  	s1 =	sld [smem:$0x3F9D];
	s0 =	simm.s32 @p0 $0x1  }
0x13: {  	[smem:$0x3FB8] =	sst s0;
	s0 =	simm.s32 @!p1 $0x0  }
0x14: {  	s2 =	sld [smem:$0x3F9C];
	s0 =	simm.s32 @p1 $0x1  }
0x15: {  	[smem:$0x3FB9] =	sst s0;
	s0 =	simm.s32 @!p2 $0x0  }
0x16: {  	s3 =	sld [smem:$0x3FDB];
	s0 =	simm.s32 @p2 $0x1  }
0x17: {  	s4 =	simm.s32 $0x1BF5;
	[smem:$0x3FBB] =	sst s0  }
0x18: {  	s0 =	sld [smem:$0x3F9E];
	_ =	swait.ge [sflag:s4], $0x0  }
0x19: {  	s7 =	sld [smem:$0x3F9F]  }
0x1a: {  	s8 =	sadd.s32 $0xFFFFE003, lr  }
0x1b: {  	s9 =	sadd.s32 $0xFFFFFEF7, lr;
	s5 =	simm.s32 $0xFFFFFFFF;
	p2 =	slt.u32 s8, $0xFFFFF086  }
0x1c: {  	p1 =	slt.u32 s9, $0xF7A;
	s5 =	simm.s32 @!p2 $0x0  }
0x1d: {  	s5 =	simm.s32 @p1 $0x1;
	p0 =	seq.s32 s7, s2  }
0x1e: {  	s7 =	smul.u32 @!p0 $0xF7A, s2;
	p2 =	seq.s32 @!p0 s5, $0x0  }
0x1f: {  	s9 =	smul.u32 $0xF7A, s1;
	s8 =	simm.s32 @!p0 $0x1BF5;
	p2 =	por !p2, p0  }
0x20: {  	[sflag:s8] =	ssyncset.s32 @!p0 $0xFFFFF086;
	s6 =	sadd.s32 @!p0 s3, s7;
	s7 =	simm.s32 @!p0 $0x108  }
0x21: {  	s3 =	sadd.s32 s3, s9;
	s6 =	sadd.s32 @!p0 $0x88, s6;
	s7 =	simm.s32 @p2 $0x1082  }
0x22: {  	[simem:s7], [sflag:s8] =	dma.local @!p0 [hbm:s6], $0xF7A  }
0x23: {  	s9 =	sor.u32 $0xD0000000, s2;
	s6 =	simm.s32 $0x108;
	_ =	swait.ge @!p0 [sflag:s8], $0x0  }
0x24: {  	s3 =	sadd.s32 $0x88, s3;
	s6 =	simm.s32 @!p1 $0x1082;
	[sflag:s4] =	ssyncset.s32 $0xFFFFF086  }
0x25: {  	[simem:s6], [sflag:s4] =	dma.local [hbm:s3], $0xF7A  }
0x26: {  	[smem:$0x3F9F] =	sst s1;
	(tag) =	ssettag s2;
	_ =	strace s9  }
0x27: {  	s1 =	sld [smem:$0x3FAF]  }
0x28: {  	s2 =	sld [smem:$0x3FB0]  }
0x29: {  	s4 =	sld [smem:$0x3FB2]  }
0x2a: {  	p0 =	seq.s32 s5, $0x0;
	s5 =	sld [smem:$0x3FB3]  }
0x2b: {  	s6 =	sld [smem:$0x3FB4]  }
0x2c: {  	s7 =	sld [smem:$0x3FB5]  }
0x2d: {  	s3 =	simm.s32 $0x108;
	s8 =	sld [smem:$0x3FB6]  }
0x2e: {  	s3 =	simm.s32 @!p0 $0x1082;
	s9 =	sld [smem:$0x3FB7]  }
0x2f: {  	lr =	sadd.s32 s0, s3;
	s0 =	sld [smem:$0x3FAE]  }
0x30: {  	s3 =	sld [smem:$0x3FB1]  }
0x31: {  	[smem:$0x3FBA] =	sst s10  }
0x32: {  	s10 =	sld [smem:$0x3FB8];
	_ =	sdelay $0x3  }
0x33: {  	p0 =	seq.s32 s10, $0x1;
	s10 =	sld [smem:$0x3FBA];
	_ =	sdelay $0x3  }
0x34: {  	[smem:$0x3FBA] =	sst s10  }
0x35: {  	s10 =	sld [smem:$0x3FB9];
	_ =	sdelay $0x3  }
0x36: {  	p1 =	seq.s32 s10, $0x1;
	s10 =	sld [smem:$0x3FBA];
	_ =	sdelay $0x3  }
0x37: {  	[smem:$0x3FBA] =	sst s10  }
0x38: {  	s10 =	sld [smem:$0x3FBB]  }
0x39: {  	_ = 	snop;
	(pc) =	sbr.ind lr, $3  }
0x3a: {  	_ = 	snop  }
0x3b: {  	_ = 	snop  }
0x3c: {  	p2 =	seq.s32 s10, $0x1;
	s10 =	sld [smem:$0x3FBA]  }
0x3d: {  	_ =	shalt  }
0x3e: {  	_ =	shalt  }
0x3f: {  	_ =	shalt  }
0x40: {  	_ =	shalt  }
0x41: {  	_ =	shalt  }
0x42: {  	_ =	shalt  }
0x43: {  	_ =	shalt  }
0x44: {  	_ =	shalt  }
0x45: {  	_ =	shalt  }
0x46: {  	_ =	shalt  }
0x47: {  	_ =	shalt  }
0x48: {  	_ =	shalt  }
0x49: {  	_ =	shalt  }
0x4a: {  	_ =	shalt  }
0x4b: {  	_ =	shalt  }
0x4c: {  	_ =	shalt  }
0x4d: {  	_ =	shalt  }
0x4e: {  	_ =	shalt  }
0x4f: {  	_ =	shalt  }
0x50: {  	_ =	shalt  }
0x51: {  	_ =	shalt  }
0x52: {  	_ =	shalt  }
0x53: {  	_ =	shalt  }
0x54: {  	_ =	shalt  }
0x55: {  	_ =	shalt  }
0x56: {  	_ =	shalt  }
0x57: {  	_ =	shalt  }
0x58: {  	_ =	shalt  }
0x59: {  	_ =	shalt  }
0x5a: {  	_ =	shalt  }
0x5b: {  	_ =	shalt  }
0x5c: {  	_ =	shalt  }
0x5d: {  	_ =	shalt  }
0x5e: {  	_ =	shalt  }
0x5f: {  	_ =	shalt  }
0x60: {  	_ =	shalt  }
0x61: {  	_ =	shalt  }
0x62: {  	_ =	shalt  }
0x63: {  	_ =	shalt  }
0x64: {  	_ =	shalt  }
0x65: {  	_ =	shalt  }
0x66: {  	_ =	shalt  }
0x67: {  	_ =	shalt  }
0x68: {  	_ =	shalt  }
0x69: {  	_ =	shalt  }
0x6a: {  	_ =	shalt  }
0x6b: {  	_ =	shalt  }
0x6c: {  	_ =	shalt  }
0x6d: {  	_ =	shalt  }
0x6e: {  	_ =	shalt  }
0x6f: {  	_ =	shalt  }
0x70: {  	_ =	shalt  }
0x71: {  	_ =	shalt  }
0x72: {  	_ =	shalt  }
0x73: {  	_ =	shalt  }
0x74: {  	_ =	shalt  }
0x75: {  	_ =	shalt  }
0x76: {  	_ =	shalt  }
0x77: {  	_ =	shalt  }
0x78: {  	_ =	shalt  }
0x79: {  	_ =	shalt  }
0x7a: {  	_ =	shalt  }
0x7b: {  	_ =	shalt  }
0x7c: {  	_ =	shalt  }
0x7d: {  	_ =	shalt  }
0x7e: {  	_ =	shalt  }
0x7f: {  	_ =	shalt  }
0x80: {  	_ =	shalt  }
0x81: {  	_ =	shalt  }
0x82: {  	_ =	shalt  }
0x83: {  	_ =	shalt  }
0x84: {  	_ =	shalt  }
0x85: {  	_ =	shalt  }
0x86: {  	_ =	shalt  }
0x87: {  	_ =	shalt  }
.Lfunc_end0:
.L_simem_size_0:
called_computation_lowered:
.L_overlay_start_0:
0x88: {  	s2 =	sld [smem:$0x3FD9]  }
0x89: {  	s3 =	sld [smem:$0x3FFE];
	_ =	sdelay $0x1  }
0x8a: {  	s1 =	srdreg.scid  }
0x8b: {  	s0 =	sand.u32 $0x1, s1  }
0x8c: {  	s17 =	sshll.u32 s0, $0xA;
	s2 =	sadd.s32 s3, s2  }
0x8d: {  	s2 =	sadd.s32 s2, s17  }
0x8e: {  	[smem:$0x3FC6] =	sst s2  }
0x8f: {  	_ = 	snop  }
0x90: {  	s2 =	sld [smem:$0x3FD0];
	(tm) =	ssettm $0x1  }
0x91: {  	s18 =	sld [smem:$0x3FFB];
	_ =	sdelay $0x3  }
0x92: {  	_ =	strace s18  }
0x93: {  	s3 =	sld [smem:$0x3FFC];
	_ =	sdelay $0x3  }
0x94: {  	_ =	strace s3  }
0x95: {  	s3 =	sld [smem:$0x3FFD];
	_ =	sdelay $0x3  }
0x96: {  	_ =	strace s3  }
0x97: {  	_ =	strace $0x8FFFFFFF  }
0x98: {  	s19 =	sld [smem:$0x3FDB];
	_ =	sdelay $0x1  }
0x99: {  	s4 =	simm.s32 $_scs_section_size  }
0x9a: {  	s5 =	simm.s32 $_size__tile_overlayer_lowered;
	s6 =	simm.s32 $_tile_overlayer_lowered  }
0x9b: {  	s22 =	simm.s32 $0x1BFF;
	s21 =	sshll.u32 s6, $0x1;
	s3 =	sadd.s32 s4, s19  }
0x9c: {  	s7 =	simm.s32 $0x0;
	s20 =	sshll.u32 s5, $0x1;
	s5 =	sadd.s32 s21, s3  }
0x9d: {  	[timem:s7], [sflag:s22] =	dma.local [hbm:s5], s20  }
0x9e: {  	_ =	swait.ge [sflag:s22], s20  }
0x9f: {  	s4 =	ssub.s32 $0x0, s20;
	[sflag:s22] =	ssyncset.done $0x0  }
0xa0: {  	[sflag:s22] =	ssyncadd.s32 s4;
	_ =	sdelay $0x1  }
0xa1: {  	s23 =	simm.s32 $0x1B8B  }
0xa2: {  	_ =	swait.ge [sflag:s23], $0x1  }
0xa3: {  	[sflag:s23] =	ssyncset.done $0x0  }
0xa4: {  	s25 =	simm.s32 $0x1B8E;
	s24 =	sld [smem:$0x3FFE];
	[sflag:s23] =	ssyncadd.s32 $0xFFFFFFFF  }
0xa5: {  	s26 =	simm.s32 $execute0_lowered;
	[smem:$0x3FD2] =	sst s25  }
0xa6: {  	s5 =	sshll.u32 s26, $0x1;
	_ =	strace $0x80000046;
	[dreg:$0x1] =	wrdreg $0xFFFFFFFF  }
0xa7: {  	s28 =	simm.s32 $_size_execute0_lowered;
	s3 =	sadd.s32 s3, s5;
	[dreg:$0x0] =	wrdreg $0x0  }
0xa8: {  	s5 =	sshll.u32 s28, $0x1;
	[dreg:$0x2] =	wrdreg s3  }
0xa9: {  	[dreg:$0x3] =	wrdreg s5  }
0xaa: {  	[dreg:$0x4] =	wrdreg $0xC0  }
0xab: {  	_ =	task [dreg:s7], $0x5FFFF  }
0xac: {  	[dreg:$0x1] =	wrdreg $0xFFFFFFFF  }
0xad: {  	[dreg:$0x0] =	wrdreg $0x60  }
0xae: {  	[dreg:$0x2] =	wrdreg s24  }
0xaf: {  	[dreg:$0x3] =	wrdreg s2  }
0xb0: {  	[dreg:$0x4] =	wrdreg $0x117D00  }
0xb1: {  	[dreg:$0x5] =	wrdreg $0x9  }
0xb2: {  	_ =	task.clear_ibuf [dreg:s7], $0x6FFFF;
	_ =	strace $0x90000046  }
0xb3: {  	s29 =	simm.s32 $0x9;
	_ =	strace $0x80000048  }
0xb4: {  	_ =	swait.ge [sflag:s29], $0x1  }
0xb5: {  	[sflag:s29] =	ssyncadd.s32 $0xFFFFFFFF  }
0xb6: {  	_ =	strace $0x90000048  }
0xb7: {  	_ =	sfence  }
0xb8: {  	s30 =	sld [smem:$0x0];
	_ =	sdelay $0x2  }
0xb9: {  	s31 =	sshll.u32 s1, $0xD;
	s1 =	sshrl.u32 s1, $0x2  }
0xba: {  	s3 =	sand.u32 $0x4000, s31;
	s1 =	sadd.s32 s1, s30  }
0xbb: {  	s0 =	sor.u32 s3, s0;
	s1 =	sshll.u32 s1, $0x11  }
0xbc: {  	s0 =	sor.u32 s1, s0  }
0xbd: {  	s0 =	sadd.s32 $0x8F2B, s0  }
0xbe: {  	[sflag:s0] =	ssyncadd.remote.s32 $0x1  }
0xbf: {  	_ =	sfence.sel $0xFFFF  }
0xc0: {  	[dreg:$0x0] =	wrdreg $0xFFFFFFFF;
	(pc) =	sbr.abs _section_cstart, $3  }
0xc1: {  	[dreg:$0x1] =	wrdreg $0xFFFFFFFF  }
0xc2: {  	_ =	task.clear_ibuf [dreg:s7], $0x2FFFF;
	_ =	strace $0x9FFFFFFF  }
0xc3: {  	(tm) =	ssettm $0x7FFFFFFF  }
tec
execute0_lowered:
.L_overlay_start_1:
0x0: {  	(tag) =	ssettag $0x1  }
0x1: {  	s0 =	rddreg [dreg:$0x0]  }
0x2: {  	s2 =	rddreg [dreg:$0x1]  }
0x3: {  	s3 =	rddreg [dreg:$0x2]  }
0x4: {  	s11 =	stileid.u32;
	s1 =	srdreg.scid;
	s4 =	simm.s32 $0x0  }
0x5: {  	s13 =	simm.s32 $0x7;
	s14 =	simm.s32 $0x5;
	s15 =	simm.s32 $0x6  }
0x6: {  	s16 =	simm.s32 $0xC8;
	s19 =	simm.s32 $0x8020;
	s20 =	simm.s32 $0xE420  }
0x7: {  	s21 =	simm.s32 $0x1;
	s22 =	simm.s32 $0x3;
	s23 =	simm.s32 $0x11620  }
0x8: {  	s24 =	simm.s32 $0x2;
	s25 =	simm.s32 $0x4;
	s26 =	simm.s32 $0x116F8  }
0x9: {  	s28 =	simm.s32 $0x0;
	s1 =	sand.u32 $0x1, s1;
	s5 =	sshll.u32 s11, $0x1  }
0xa: {  	s8 =	smul.u32 $0x9C40, s11;
	[smem:$0x7FF] =	sst s4;
	s31 =	sshll.u32 s11, $0x6  }
0xb: {  	s11 =	simm.s32 $0x2710;
	s5 =	sor.u32 s1, s5;
	_ =	strace $0x80000047  }
0xc: {  	s1 =	ssub.s32 $0x2, s1;
	s5 =	smul.u32 $0x2710, s5;
	s6 =	sshrl.u32 s8, $0x3  }
0xd: {  	s9 =	sshrl.u32 s1, $0x1;
	s12 =	sadd.s32 s8, s3;
	s10 =	sadd.s32 s6, s0  }
0xe: {  	s1 =	ssub.s32 s1, s9;
	s9 =	sor.u32 $0x1C07, s31;
	s7 =	sshrl.u32 s5, $0x3  }
0xf: {  	s12 =	sshrl.u32 s12, $0x3;
	s8 =	sadd.s32 $0x200, s10;
	s0 =	sadd.s32 s7, s0  }
0x10: {  	vm0 =	vcmask $0x3F3C;
	s10 =	smax.u32 s1, $0x1;
	s6 =	sadd.s32 $0x13C00, s0;
	s7 =	sadd.s32 $0x1D840, s0  }
.LBB2_1:
0x11: {  	[tilespmem:s4], [sflag:$0x5] =	stream.linear.gather [hbm4b:s6+s4], $0x2710, $0x38;
	[tilespmem:$0x1B410] =	vst v63  }
0x12: {  	_ = 	snop  }
0x13: {  	[tilespmem:s11], [sflag:$0x6] =	stream.linear.gather [hbm4b:s7+s4], $0x2710, $0x38;
	[tilespmem:$0x1B410] =	vst v63  }
0x14: {  	[spmem:s12], [sflag:s9] =	dma.local [hbm:s8], $0x1388  }
0x15: {  	_ =	swait.ge [sflag:s13], $0x1388  }
0x16: {  	[sflag:s13] =	ssyncset.done $0x0  }
0x17: {  	[sflag:s13] =	ssyncadd.s32 $0xFFFFEC78  }
0x18: {  	[bflag:$0x0] =	sbarrier.arrive $0xFFFF  }
0x19: {  	_ =	swait.ge [sflag:s14], $0x2710  }
0x1a: {  	[sflag:s14] =	ssyncset.done $0x0  }
0x1b: {  	[sflag:s14] =	ssyncadd.s32 $0xFFFFD8F0  }
0x1c: {  	_ =	swait.ge [sflag:s15], $0x2710  }
0x1d: {  	[sflag:s15] =	ssyncset.done $0x0  }
0x1e: {  	s0 =	simm.s32 $0x4E20;
	[sflag:s15] =	ssyncadd.s32 $0xFFFFD8F0  }
0x1f: {  	[tilespmem:s0], [sflag:$0x1] =	stream.indirect.gather [spmem:s3], $0x40, s4, s16, $0xb8;
	[tilespmem:$0x1B410] =	vst v63  }
0x20: {  	s31 =	simm.s32 $0xB220;
	s29 =	simm.s32 $0x0  }
0x21: {  	[tilespmem:s31], [sflag:$0x3] =	stream.indirect.gather [spmem:s3], $0x40, s11, s16, $0xb8;
	[tilespmem:$0x1B410] =	vst v63  }
.LBB2_2:
0x22: {  	s31 =	smul.u32 $0x190, s29;
	_ =	sdelay $0x1  }
0x23: {  	s30 =	sadd.s32 $0xC8, s31  }
0x24: {  	[tilespmem:s19], [sflag:$0x2] =	stream.indirect.gather [spmem:s3], $0x40, s30, s16, $0xb8;
	[tilespmem:$0x1B410] =	vst v63  }
0x25: {  	s0 =	sadd.s32 $0x27D8, s31  }
0x26: {  	[tilespmem:s20], [sflag:$0x4] =	stream.indirect.gather [spmem:s3], $0x40, s0, s16, $0xb8;
	[tilespmem:$0x1B410] =	vst v63  }
0x27: {  	_ =	swait.ge [sflag:s21], $0x3200  }
0x28: {  	[sflag:s21] =	ssyncset.done $0x0  }
0x29: {  	[sflag:s21] =	ssyncadd.s32 $0xFFFFCE00  }
0x2a: {  	_ =	swait.ge [sflag:s22], $0x3200  }
0x2b: {  	p0 =	seq.s32 s29, $0x0;
	[sflag:s22] =	ssyncset.done $0x0  }
0x2c: {  	s0 =	simm.s32 @!p0 $0x5;
	[sflag:s22] =	ssyncadd.s32 $0xFFFFCE00  }
0x2d: {  	_ =	swait.ge @!p0 [sflag:s0], $0xC8  }
0x2e: {  	[sflag:s0] =	ssyncset.done @!p0 $0x0  }
0x2f: {  	s18 =	simm.s32 $0x4F20;
	[sflag:s0] =	ssyncadd.s32 @!p0 $0xFFFFFF38  }
0x30: {  	s0 =	simm.s32 $0xB320;
	v3 =	vld [tilespmem:s18+$0xC0]  }
0x31: {  	v4 =	vld [tilespmem:s0+$0xC0]  }
0x32: {  	v5 =	vld [tilespmem:s18+$0xD0]  }
0x33: {  	v6 =	vld [tilespmem:s0+$0xD0]  }
0x34: {  	v7 =	vld [tilespmem:s18+$0xE0]  }
0x35: {  	v8 =	vld [tilespmem:s0+$0xE0]  }
0x36: {  	v9 =	vld [tilespmem:s18+$0xF0]  }
0x37: {  	v10 =	vld [tilespmem:s0+$0xF0]  }
0x38: {  	v0 =	vld [tilespmem:s0+$0xFFFFFF00]  }
0x39: {  	v1 =	vld [tilespmem:s18+$0xFFFFFF10]  }
0x3a: {  	v2 =	vld [tilespmem:s0+$0xFFFFFF10]  }
0x3b: {  	v11 =	vld [tilespmem:s18+$0xFFFFFF20]  }
0x3c: {  	v12 =	vld [tilespmem:s0+$0xFFFFFF20]  }
0x3d: {  	v13 =	vld [tilespmem:s18+$0xFFFFFF30]  }
0x3e: {  	v14 =	vld [tilespmem:s0+$0xFFFFFF30]  }
0x3f: {  	v15 =	vld [tilespmem:s18+$0xFFFFFF40]  }
0x40: {  	v16 =	vld [tilespmem:s0+$0xFFFFFF40]  }
0x41: {  	v17 =	vld [tilespmem:s18+$0xFFFFFF50]  }
0x42: {  	v18 =	vld [tilespmem:s0+$0xFFFFFF50]  }
0x43: {  	v19 =	vld [tilespmem:s18+$0xFFFFFF60]  }
0x44: {  	v20 =	vld [tilespmem:s0+$0xFFFFFF60]  }
0x45: {  	v21 =	vld [tilespmem:s18+$0xFFFFFF70]  }
0x46: {  	v22 =	vld [tilespmem:s0+$0xFFFFFF70]  }
0x47: {  	v23 =	vld [tilespmem:s18+$0xFFFFFF80]  }
0x48: {  	v24 =	vld [tilespmem:s0+$0xFFFFFF80]  }
0x49: {  	v25 =	vld [tilespmem:s18+$0xFFFFFF90]  }
0x4a: {  	v26 =	vld [tilespmem:s0+$0xFFFFFF90]  }
0x4b: {  	v27 =	vld [tilespmem:s18+$0xFFFFFFA0]  }
0x4c: {  	v41 =	vld [tilespmem:s0+$0xFFFFFFD0];
	v3 =	vmul.bf16 v4, v3;
	v4 =	vmul.bf16 v6, v5  }
0x4d: {  	v44 =	vld [tilespmem:s18+$0xFFFFFFE0];
	v7 =	vmul.bf16 v8, v7;
	v8 =	vmul.bf16 v10, v9  }
0x4e: {  	v45 =	vld [tilespmem:s0+$0xFFFFFFE0];
	v17 =	vmul.bf16 v18, v17  }
0x4f: {  	v5 =	vld [tilespmem:s0+$0xFFFFFFA0];
	v42 =	vmul.bf16 v20, v19;
	v3 =	vadd.bf16 v4, v3;
	v7 =	vadd.bf16 v8, v7  }
0x50: {  	v6 =	vld [tilespmem:s18+$0xFFFFFFB0];
	v48 =	vmul.bf16 v24, v23;
	v51 =	vmul.bf16 v26, v25  }
0x51: {  	v4 =	vld [tilespmem:s0+$0xFFFFFFB0];
	v8 =	vunpack.i.u.bf16.f32 v3;
	v3 =	vunpack.i.l.bf16.f32 v3;
	v40 =	vunpack.i.u.bf16.f32 v7  }
0x52: {  	v46 =	vld [tilespmem:s18+$0xFFFFFFF0];
	v7 =	vunpack.i.l.bf16.f32 v7;
	v3 =	vadd.f32 v3, v8;
	v8 =	vmul.bf16 v16, v15  }
0x53: {  	v9 =	vld [tilespmem:s18+$0xFFFFFFC0];
	v43 =	vmul.bf16 v22, v21;
	v21 =	vadd.bf16 v51, v48;
	v7 =	vadd.f32 v7, v40  }
0x54: {  	v10 =	vld [tilespmem:s0+$0xFFFFFFC0];
	v8 =	vadd.bf16 v17, v8  }
0x55: {  	v55 =	vunpack.i.u.bf16.f32 v21;
	v15 =	vld [tilespmem:s18+$0xFFFFFFD0];
	v3 =	vadd.f32 v7, v3;
	v7 =	vadd.bf16 v43, v42  }
0x56: {  	v49 =	vld [tilespmem:s0+$0xFFFFFFF0];
	v5 =	vmul.bf16 v5, v27;
	v4 =	vmul.bf16 v4, v6;
	v47 =	vunpack.i.u.bf16.f32 v8  }
0x57: {  	v52 =	vld [tilespmem:s18+$0x0];
	v8 =	vunpack.i.l.bf16.f32 v8;
	v50 =	vunpack.i.u.bf16.f32 v7;
	v7 =	vunpack.i.l.bf16.f32 v7  }
0x58: {  	v53 =	vld [tilespmem:s0+$0x0];
	v56 =	vunpack.i.l.bf16.f32 v21;
	v8 =	vadd.f32 v8, v47;
	v7 =	vadd.f32 v7, v50  }
0x59: {  	v54 =	vld [tilespmem:s18+$0x20];
	v17 =	vadd.f32 v56, v55;
	v4 =	vadd.bf16 v4, v5;
	v5 =	vmul.bf16 v45, v44  }
0x5a: {  	v59 =	vld [tilespmem:s0+$0x30];
	v7 =	vadd.f32 v7, v8;
	v8 =	vmul.bf16 v10, v9;
	v9 =	vmul.bf16 v41, v15  }
0x5b: {  	v6 =	vld [tilespmem:s18+$0x10];
	v57 =	vunpack.i.u.bf16.f32 v4;
	v4 =	vunpack.i.l.bf16.f32 v4;
	v15 =	vmul.bf16 v49, v46  }
0x5c: {  	v10 =	vld [tilespmem:s0+$0x10];
	v4 =	vadd.f32 v4, v57;
	v8 =	vadd.bf16 v9, v8  }
0x5d: {  	v9 =	vld [tilespmem:s0+$0x20];
	v5 =	vadd.bf16 v15, v5  }
0x5e: {  	v11 =	vmul.bf16 v12, v11;
	(xrf2) =	vadd.scan.msk.f32 $0xffff, v3;
	v15 =	vld [tilespmem:s18+$0x30];
	v3 =	vadd.f32 v4, v17;
	v58 =	vunpack.i.u.bf16.f32 v8  }
0x5f: {  	v61 =	vld [tilespmem:s18+$0x40];
	v8 =	vunpack.i.l.bf16.f32 v8;
	v60 =	vunpack.i.u.bf16.f32 v5;
	v5 =	vunpack.i.l.bf16.f32 v5  }
0x60: {  	v62 =	vld [tilespmem:s0+$0x40];
	v12 =	vmul.bf16 v14, v13;
	(xrf2) =	vadd.scan.msk.f32 $0xffff, v7;
	v8 =	vadd.f32 v8, v58;
	v5 =	vadd.f32 v5, v60  }
0x61: {  	v13 =	vld [tilespmem:s0+$0x70];
	(xrf2) =	vadd.scan.msk.f32 $0xffff, v3;
	v3 =	vmul.bf16 v53, v52;
	v6 =	vmul.bf16 v10, v6  }
0x62: {  	v4 =	vld [tilespmem:s18+$0x50];
	v5 =	vadd.f32 v5, v8  }
0x63: {  	v7 =	vld [tilespmem:s0+$0x50];
	v9 =	vmul.bf16 v9, v54;
	v3 =	vadd.bf16 v6, v3;
	v6 =	vmul.bf16 v59, v15  }
0x64: {  	v10 =	vld [tilespmem:s18+$0x70];
	(xrf2) =	vadd.scan.msk.f32 $0xffff, v5  }
0x65: {  	v8 =	vld [tilespmem:s18+$0x60];
	v6 =	vadd.bf16 v6, v9  }
0x66: {  	v11 =	vadd.bf16 v12, v11;
	v5 =	vld [tilespmem:s0+$0x60];
	v14 =	vunpack.i.u.bf16.f32 v3  }
0x67: {  	v63 =	vld [tilespmem:s18+$0x90];
	v3 =	vunpack.i.l.bf16.f32 v3;
	v15 =	vunpack.i.u.bf16.f32 v6;
	v6 =	vunpack.i.l.bf16.f32 v6  }
0x68: {  	v4 =	vmul.bf16 v7, v4;
	v9 =	vld [tilespmem:s18+$0x80];
	v12 =	vadd.f32 v3, v14;
	v6 =	vadd.f32 v6, v15  }
0x69: {  	v7 =	vunpack.i.u.bf16.f32 v11;
	v11 =	vunpack.i.l.bf16.f32 v11;
	v3 =	vmul.bf16 v62, v61;
	v14 =	vld [tilespmem:s0+$0x80]  }
0x6a: {  	v1 =	vmul.bf16 v2, v1;
	v2 =	vadd.f32 v11, v7;
	v15 =	vld [tilespmem:s0+$0x90];
	v7 =	vadd.f32 v6, v12  }
0x6b: {  	s1 =	simm.s32 $0x11627;
	v10 =	vmul.bf16 v13, v10;
	v4 =	vadd.bf16 v4, v3;
	v3 =	vld [tilespmem:s18+$0xA0];
	v8 =	vmul.bf16 v5, v8;
	v5, _, _ =	vpop (xrf2)  }
0x6c: {  	v13, _, _ =	vpop (xrf2);
	[tilespmem:s1+$0x0] =	vst.msk vm0, v5;
	v5 =	vld [tilespmem:s0+$0xA0];
	(xrf2) =	vadd.scan.msk.f32 $0xffff, v7  }
0x6d: {  	v12 =	vunpack.i.u.bf16.f32 v4;
	v4 =	vunpack.i.l.bf16.f32 v4;
	v6 =	vld [tilespmem:s18+$0xB0];
	[tilespmem:s1+$0xFFFFFFFA] =	vst.msk vm0, v13;
	v11, _, _ =	vpop (xrf2);
	v10 =	vadd.bf16 v10, v8  }
0x6e: {  	v4 =	vadd.f32 v4, v12;
	v8 =	vmul.bf16 v14, v9;
	v7 =	vld [tilespmem:s0+$0xB0];
	[tilespmem:s1+$0xFFFFFFFB] =	vst.msk vm0, v11;
	v11, _, _ =	vpop (xrf2)  }
0x6f: {  	s17 =	simm.s32 $0x0;
	v9 =	vld [tilespmem:s18+$0xFFFFFF00];
	s18 =	simm.s32 $0x5120;
	v12 =	vunpack.i.l.bf16.f32 v10;
	[tilespmem:s1+$0xFFFFFFFC] =	vst.msk vm0, v11;
	v11 =	vunpack.i.u.bf16.f32 v10;
	v10 =	vmul.bf16 v15, v63  }
.LBB2_3:
0x70: {  	v13 =	vld [tilespmem:s18+$0xC0];
	v11 =	vadd.f32 v12, v11;
	s0 =	sadd.s32 $0x200, s0  }
0x71: {  	v12 =	vld [tilespmem:s0+$0xC0];
	v3 =	vmul.bf16 v5, v3;
	v5 =	vadd.bf16 v10, v8  }
0x72: {  	v8 =	vld [tilespmem:s18+$0xD0];
	v4 =	vadd.f32 v11, v4  }
0x73: {  	v10 =	vld [tilespmem:s0+$0xD0];
	v6 =	vmul.bf16 v7, v6;
	v7 =	vunpack.i.u.bf16.f32 v5;
	v5 =	vunpack.i.l.bf16.f32 v5  }
0x74: {  	v11 =	vld [tilespmem:s18+$0xE0];
	v9 =	vmul.bf16 v0, v9;
	v5 =	vadd.f32 v5, v7;
	(xrf2) =	vadd.scan.msk.f32 $0xffff, v4  }
0x75: {  	v4 =	vld [tilespmem:s0+$0xE0];
	v3 =	vadd.bf16 v6, v3  }
0x76: {  	v6 =	vld [tilespmem:s18+$0xF0];
	v1 =	vadd.bf16 v1, v9;
	v0, _, _ =	vpop (xrf2)  }
0x77: {  	s17 =	sadd.s32 $0x8, s17;
	v7 =	vld [tilespmem:s0+$0xF0];
	[tilespmem:s1+$0xFFFFFFFD] =	vst.msk vm0, v0;
	v9 =	vunpack.i.u.bf16.f32 v3;
	v3 =	vunpack.i.l.bf16.f32 v3  }
0x78: {  	p1 =	slt.u32 s17, $0xC0;
	v0 =	vld [tilespmem:s0+$0xFFFFFF00];
	v14 =	vunpack.i.u.bf16.f32 v1;
	v1 =	vunpack.i.l.bf16.f32 v1;
	v3 =	vadd.f32 v3, v9  }
0x79: {  	v9 =	vld [tilespmem:s18+$0xFFFFFF10];
	v1 =	vadd.f32 v1, v14  }
0x7a: {  	v14 =	vld [tilespmem:s0+$0xFFFFFF10];
	v3 =	vadd.f32 v3, v5  }
0x7b: {  	v12 =	vmul.bf16 v12, v13;
	v8 =	vmul.bf16 v10, v8;
	v5 =	vld [tilespmem:s18+$0xFFFFFF20];
	v1 =	vadd.f32 v2, v1  }
0x7c: {  	v4 =	vmul.bf16 v4, v11;
	v2 =	vld [tilespmem:s0+$0xFFFFFF20];
	v11 =	vmul.bf16 v7, v6  }
0x7d: {  	v8 =	vadd.bf16 v8, v12;
	v7 =	vld [tilespmem:s18+$0xFFFFFF30];
	(xrf2) =	vadd.scan.msk.f32 $0xffff, v1  }
0x7e: {  	v10 =	vld [tilespmem:s0+$0xFFFFFF30];
	v4 =	vadd.bf16 v11, v4;
	v6, _, _ =	vpop (xrf2)  }
0x7f: {  	v11 =	vunpack.i.u.bf16.f32 v8;
	v1 =	vmul.bf16 v14, v9;
	v9 =	vld [tilespmem:s18+$0xFFFFFF40];
	[tilespmem:s1+$0xFFFFFFFE] =	vst.msk vm0, v6  }
0x80: {  	v8 =	vunpack.i.l.bf16.f32 v8;
	v6 =	vld [tilespmem:s0+$0xFFFFFF40];
	v12 =	vunpack.i.u.bf16.f32 v4;
	v4 =	vunpack.i.l.bf16.f32 v4;
	(xrf2) =	vadd.scan.msk.f32 $0xffff, v3  }
0x81: {  	v2 =	vmul.bf16 v2, v5;
	v3 =	vld [tilespmem:s18+$0xFFFFFF50];
	v5 =	vadd.f32 v8, v11;
	v4 =	vadd.f32 v4, v12  }
0x82: {  	v8 =	vld [tilespmem:s0+$0xFFFFFF50]  }
0x83: {  	v7 =	vmul.bf16 v10, v7;
	v10 =	vld [tilespmem:s18+$0xFFFFFF60];
	v4 =	vadd.f32 v4, v5  }
0x84: {  	v5 =	vld [tilespmem:s0+$0xFFFFFF60]  }
0x85: {  	v2 =	vadd.bf16 v7, v2;
	v6 =	vmul.bf16 v6, v9;
	v7 =	vld [tilespmem:s18+$0xFFFFFF70];
	(xrf2) =	vadd.scan.msk.f32 $0xffff, v4  }
0x86: {  	v4 =	vld [tilespmem:s0+$0xFFFFFF70]  }
0x87: {  	v9 =	vunpack.i.u.bf16.f32 v2;
	v2 =	vunpack.i.l.bf16.f32 v2;
	v3 =	vmul.bf16 v8, v3;
	v8 =	vld [tilespmem:s18+$0xFFFFFF80];
	v11, _, _ =	vpop (xrf2)  }
0x88: {  	v2 =	vadd.f32 v2, v9;
	v9 =	vld [tilespmem:s0+$0xFFFFFF80];
	[tilespmem:s1+$0xFFFFFFF9] =	vst.msk vm0, v11  }
0x89: {  	v5 =	vmul.bf16 v5, v10;
	v3 =	vadd.bf16 v3, v6;
	v6 =	vld [tilespmem:s18+$0xFFFFFF90]  }
0x8a: {  	v10 =	vld [tilespmem:s0+$0xFFFFFF90];
	v11, _, _ =	vpop (xrf2)  }
0x8b: {  	v4 =	vmul.bf16 v4, v7;
	v7 =	vunpack.i.u.bf16.f32 v3;
	v3 =	vunpack.i.l.bf16.f32 v3;
	v12 =	vld [tilespmem:s18+$0xFFFFFFA0];
	[tilespmem:s1+$0xFFFFFFFF] =	vst.msk vm0, v11  }
0x8c: {  	v3 =	vadd.f32 v3, v7;
	v7 =	vld [tilespmem:s0+$0xFFFFFFA0]  }
0x8d: {  	v4 =	vadd.bf16 v4, v5;
	v5 =	vmul.bf16 v9, v8;
	v8 =	vld [tilespmem:s18+$0xFFFFFFB0]  }
0x8e: {  	v9 =	vld [tilespmem:s0+$0xFFFFFFB0]  }
0x8f: {  	s1 =	sadd.s32 $0x8, s1;
	v11 =	vunpack.i.u.bf16.f32 v4;
	v4 =	vunpack.i.l.bf16.f32 v4;
	v6 =	vmul.bf16 v10, v6;
	v10 =	vld [tilespmem:s18+$0xFFFFFFC0];
	v13, _, _ =	vpop (xrf2)  }
0x90: {  	v4 =	vadd.f32 v4, v11;
	v11 =	vld [tilespmem:s0+$0xFFFFFFC0];
	[tilespmem:s1+$0x0] =	vst.msk vm0, v13  }
0x91: {  	v7 =	vmul.bf16 v7, v12;
	v5 =	vadd.bf16 v6, v5;
	v6 =	vld [tilespmem:s18+$0xFFFFFFD0]  }
0x92: {  	v3 =	vadd.f32 v4, v3;
	v4 =	vld [tilespmem:s0+$0xFFFFFFD0]  }
0x93: {  	v8 =	vmul.bf16 v9, v8;
	v9 =	vunpack.i.u.bf16.f32 v5;
	v5 =	vunpack.i.l.bf16.f32 v5;
	v12 =	vld [tilespmem:s18+$0xFFFFFFE0]  }
0x94: {  	v5 =	vadd.f32 v5, v9;
	v9 =	vld [tilespmem:s0+$0xFFFFFFE0];
	(xrf2) =	vadd.scan.msk.f32 $0xffff, v3  }
0x95: {  	v3 =	vadd.bf16 v8, v7;
	v7 =	vmul.bf16 v11, v10;
	v8 =	vld [tilespmem:s18+$0xFFFFFFF0]  }
0x96: {  	v10 =	vld [tilespmem:s0+$0xFFFFFFF0]  }
0x97: {  	v11 =	vunpack.i.u.bf16.f32 v3;
	v3 =	vunpack.i.l.bf16.f32 v3;
	v4 =	vmul.bf16 v4, v6;
	v6 =	vld [tilespmem:s18+$0x0]  }
0x98: {  	v3 =	vadd.f32 v3, v11;
	v11 =	vld [tilespmem:s0+$0x0]  }
0x99: {  	v9 =	vmul.bf16 v9, v12;
	v4 =	vadd.bf16 v4, v7;
	v7 =	vld [tilespmem:s18+$0x10]  }
0x9a: {  	v3 =	vadd.f32 v3, v5;
	v5 =	vld [tilespmem:s0+$0x10]  }
0x9b: {  	v8 =	vmul.bf16 v10, v8;
	v10 =	vunpack.i.u.bf16.f32 v4;
	v4 =	vunpack.i.l.bf16.f32 v4;
	v12 =	vld [tilespmem:s18+$0x20]  }
0x9c: {  	v4 =	vadd.f32 v4, v10;
	v10 =	vld [tilespmem:s0+$0x20];
	(xrf2) =	vadd.scan.msk.f32 $0xffff, v3  }
0x9d: {  	v3 =	vadd.bf16 v8, v9;
	v6 =	vmul.bf16 v11, v6;
	v8 =	vld [tilespmem:s18+$0x30]  }
0x9e: {  	v9 =	vld [tilespmem:s0+$0x30];
	v11, _, _ =	vpop (xrf2)  }
0x9f: {  	[tilespmem:s1+$0xFFFFFFFA] =	vst.msk vm0, v11;
	v11 =	vunpack.i.u.bf16.f32 v3;
	v3 =	vunpack.i.l.bf16.f32 v3;
	v5 =	vmul.bf16 v5, v7;
	v7 =	vld [tilespmem:s18+$0x40]  }
0xa0: {  	v3 =	vadd.f32 v3, v11;
	v11 =	vld [tilespmem:s0+$0x40]  }
0xa1: {  	v10 =	vmul.bf16 v10, v12;
	v5 =	vadd.bf16 v5, v6;
	v6 =	vld [tilespmem:s18+$0x50]  }
0xa2: {  	v3 =	vadd.f32 v3, v4;
	v4 =	vld [tilespmem:s0+$0x50]  }
0xa3: {  	v8 =	vmul.bf16 v9, v8;
	v9 =	vunpack.i.u.bf16.f32 v5;
	v5 =	vunpack.i.l.bf16.f32 v5;
	v12 =	vld [tilespmem:s18+$0x60]  }
0xa4: {  	v5 =	vadd.f32 v5, v9;
	v9 =	vld [tilespmem:s0+$0x60];
	(xrf2) =	vadd.scan.msk.f32 $0xffff, v3  }
0xa5: {  	v3 =	vadd.bf16 v8, v10;
	v7 =	vmul.bf16 v11, v7;
	v8 =	vld [tilespmem:s18+$0x70]  }
0xa6: {  	v10 =	vld [tilespmem:s0+$0x70];
	v11, _, _ =	vpop (xrf2)  }
0xa7: {  	[tilespmem:s1+$0xFFFFFFFB] =	vst.msk vm0, v11;
	v11 =	vunpack.i.u.bf16.f32 v3;
	v3 =	vunpack.i.l.bf16.f32 v3;
	v4 =	vmul.bf16 v4, v6;
	v6 =	vld [tilespmem:s18+$0x80]  }
0xa8: {  	v3 =	vadd.f32 v3, v11;
	v11 =	vld [tilespmem:s0+$0x80]  }
0xa9: {  	v9 =	vmul.bf16 v9, v12;
	v4 =	vadd.bf16 v4, v7;
	v13 =	vld [tilespmem:s18+$0x90]  }
0xaa: {  	v7 =	vadd.f32 v3, v5;
	v14 =	vld [tilespmem:s0+$0x90]  }
.Ltmp0:
0xab: {  	v8 =	vmul.bf16 v10, v8;
	v5 =	vunpack.i.u.bf16.f32 v4;
	v4 =	vunpack.i.l.bf16.f32 v4;
	v3 =	vld [tilespmem:s18+$0xA0];
	(pc) =	sbr.rel @p1 .LBB2_3-.Ltmp0, $4  }
0xac: {  	v4 =	vadd.f32 v4, v5;
	v5 =	vld [tilespmem:s0+$0xA0];
	(xrf2) =	vadd.scan.msk.f32 $0xffff, v7  }
0xad: {  	v10 =	vadd.bf16 v8, v9;
	v8 =	vmul.bf16 v11, v6;
	v6 =	vld [tilespmem:s18+$0xB0]  }
0xae: {  	v7 =	vld [tilespmem:s0+$0xB0];
	v11, _, _ =	vpop (xrf2)  }
0xaf: {  	v9 =	vld [tilespmem:s18+$0xFFFFFF00];
	[tilespmem:s1+$0xFFFFFFFC] =	vst.msk vm0, v11;
	v11 =	vunpack.i.u.bf16.f32 v10;
	v12 =	vunpack.i.l.bf16.f32 v10;
	v10 =	vmul.bf16 v14, v13;
	s18 =	sadd.s32 $0x200, s18  }
0xb0: {  	_ =	sdelay $0x3  }
0xb1: {  	v11 =	vadd.f32 v12, v11;
	v0 =	vmul.bf16 v0, v9  }
0xb2: {  	v3 =	vmul.bf16 v5, v3;
	v5 =	vadd.bf16 v10, v8;
	v6 =	vmul.bf16 v7, v6  }
0xb3: {  	v0 =	vadd.bf16 v1, v0  }
0xb4: {  	v3 =	vadd.bf16 v6, v3;
	v1 =	vadd.f32 v11, v4;
	v4 =	vunpack.i.u.bf16.f32 v5  }
0xb5: {  	v5 =	vunpack.i.l.bf16.f32 v5;
	v6 =	vunpack.i.u.bf16.f32 v0;
	v0 =	vunpack.i.l.bf16.f32 v0  }
0xb6: {  	v7 =	vunpack.i.u.bf16.f32 v3;
	v3 =	vunpack.i.l.bf16.f32 v3;
	v0 =	vadd.f32 v0, v6  }
0xb7: {  	v4 =	vadd.f32 v5, v4;
	v3 =	vadd.f32 v3, v7  }
0xb8: {  	v0 =	vadd.f32 v2, v0  }
0xb9: {  	(xrf2) =	vadd.scan.msk.f32 $0xffff, v1;
	v1 =	vadd.f32 v3, v4  }
0xba: {  	(xrf2) =	vadd.scan.msk.f32 $0xffff, v0  }
0xbb: {  	(xrf2) =	vadd.scan.msk.f32 $0xffff, v1;
	_ =	sdelay $0x6  }
0xbc: {  	v0, _, _ =	vpop (xrf2)  }
0xbd: {  	[tilespmem:s1+$0xFFFFFFFD] =	vst.msk vm0, v0;
	v0, _, _ =	vpop (xrf2)  }
0xbe: {  	s0 =	sadd.s32 s5, s31;
	[tilespmem:s1+$0xFFFFFFFE] =	vst.msk vm0, v0;
	v0, _, _ =	vpop (xrf2)  }
0xbf: {  	s0 =	sshrl.u32 s0, $0x3;
	[tilespmem:s1+$0xFFFFFFF9] =	vst.msk vm0, v0;
	v0, _, _ =	vpop (xrf2)  }
0xc0: {  	p1 =	seq.s32 s29, $0x18;
	s0 =	sadd.s32 s2, s0;
	[tilespmem:s1+$0xFFFFFFFF] =	vst.msk vm0, v0  }
0xc1: {  	[hbm4b:s0+s4] =	stream.linear.scatter [tilespmem:s23], [sflag:$0x5], $0xC8, $0x38;
	[tilespmem:$0x1B410] =	vst v63  }
0xc2: {  	s17 =	simm.s32 @!p1 $0x4E20;
	s1 =	simm.s32 @!p1 $0xC8;
	s0 =	sadd.s32 @!p1 $0x190, s31  }
0xc3: {  	[tilespmem:s17], [sflag:$0x1] =	stream.indirect.gather @!p1 [spmem:s3], $0x40, s0, s1, $0xb8;
	[tilespmem:$0x1B410] =	vst v63  }
0xc4: {  	s0 =	sadd.s32 @!p1 $0x28A0, s31;
	s17 =	simm.s32 @!p1 $0xB220  }
0xc5: {  	[tilespmem:s17], [sflag:$0x3] =	stream.indirect.gather @!p1 [spmem:s3], $0x40, s0, s1, $0xb8;
	[tilespmem:$0x1B410] =	vst v63  }
0xc6: {  	_ =	swait.ge [sflag:s24], $0x3200  }
0xc7: {  	[sflag:s24] =	ssyncset.done $0x0  }
0xc8: {  	[sflag:s24] =	ssyncadd.s32 $0xFFFFCE00  }
0xc9: {  	_ =	swait.ge [sflag:s25], $0x3200  }
0xca: {  	[sflag:s25] =	ssyncset.done $0x0  }
0xcb: {  	s0 =	simm.s32 @!p0 $0x6;
	[sflag:s25] =	ssyncadd.s32 $0xFFFFCE00  }
0xcc: {  	_ =	swait.ge @!p0 [sflag:s0], $0xC8  }
0xcd: {  	[sflag:s0] =	ssyncset.done @!p0 $0x0  }
0xce: {  	s18 =	simm.s32 $0x8120;
	[sflag:s0] =	ssyncadd.s32 @!p0 $0xFFFFFF38  }
0xcf: {  	s0 =	simm.s32 $0xE520;
	v3 =	vld [tilespmem:s18+$0xC0]  }
0xd0: {  	v4 =	vld [tilespmem:s0+$0xC0]  }
0xd1: {  	v5 =	vld [tilespmem:s18+$0xD0]  }
0xd2: {  	v6 =	vld [tilespmem:s0+$0xD0]  }
0xd3: {  	v7 =	vld [tilespmem:s18+$0xE0]  }
0xd4: {  	v8 =	vld [tilespmem:s0+$0xE0]  }
0xd5: {  	v9 =	vld [tilespmem:s18+$0xF0]  }
0xd6: {  	v10 =	vld [tilespmem:s0+$0xF0]  }
0xd7: {  	v0 =	vld [tilespmem:s0+$0xFFFFFF00]  }
0xd8: {  	v1 =	vld [tilespmem:s18+$0xFFFFFF10]  }
0xd9: {  	v2 =	vld [tilespmem:s0+$0xFFFFFF10]  }
0xda: {  	v11 =	vld [tilespmem:s18+$0xFFFFFF20]  }
0xdb: {  	v12 =	vld [tilespmem:s0+$0xFFFFFF20]  }
0xdc: {  	v13 =	vld [tilespmem:s18+$0xFFFFFF30]  }
0xdd: {  	v14 =	vld [tilespmem:s0+$0xFFFFFF30]  }
0xde: {  	v15 =	vld [tilespmem:s18+$0xFFFFFF40]  }
0xdf: {  	v16 =	vld [tilespmem:s0+$0xFFFFFF40]  }
0xe0: {  	v17 =	vld [tilespmem:s18+$0xFFFFFF50]  }
0xe1: {  	v18 =	vld [tilespmem:s0+$0xFFFFFF50]  }
0xe2: {  	v19 =	vld [tilespmem:s18+$0xFFFFFF60]  }
0xe3: {  	v20 =	vld [tilespmem:s0+$0xFFFFFF60]  }
0xe4: {  	v21 =	vld [tilespmem:s18+$0xFFFFFF70]  }
0xe5: {  	v22 =	vld [tilespmem:s0+$0xFFFFFF70]  }
0xe6: {  	v23 =	vld [tilespmem:s18+$0xFFFFFF80]  }
0xe7: {  	v24 =	vld [tilespmem:s0+$0xFFFFFF80]  }
0xe8: {  	v25 =	vld [tilespmem:s18+$0xFFFFFF90]  }
0xe9: {  	v26 =	vld [tilespmem:s0+$0xFFFFFF90]  }
0xea: {  	v27 =	vld [tilespmem:s18+$0xFFFFFFA0]  }
0xeb: {  	v41 =	vld [tilespmem:s0+$0xFFFFFFD0];
	v3 =	vmul.bf16 v4, v3;
	v4 =	vmul.bf16 v6, v5  }
0xec: {  	v44 =	vld [tilespmem:s18+$0xFFFFFFE0];
	v7 =	vmul.bf16 v8, v7;
	v8 =	vmul.bf16 v10, v9  }
0xed: {  	v45 =	vld [tilespmem:s0+$0xFFFFFFE0];
	v17 =	vmul.bf16 v18, v17  }
0xee: {  	v5 =	vld [tilespmem:s0+$0xFFFFFFA0];
	v42 =	vmul.bf16 v20, v19;
	v3 =	vadd.bf16 v4, v3;
	v7 =	vadd.bf16 v8, v7  }
0xef: {  	v6 =	vld [tilespmem:s18+$0xFFFFFFB0];
	v48 =	vmul.bf16 v24, v23;
	v51 =	vmul.bf16 v26, v25  }
0xf0: {  	v4 =	vld [tilespmem:s0+$0xFFFFFFB0];
	v8 =	vunpack.i.u.bf16.f32 v3;
	v3 =	vunpack.i.l.bf16.f32 v3;
	v40 =	vunpack.i.u.bf16.f32 v7  }
0xf1: {  	v46 =	vld [tilespmem:s18+$0xFFFFFFF0];
	v7 =	vunpack.i.l.bf16.f32 v7;
	v3 =	vadd.f32 v3, v8;
	v8 =	vmul.bf16 v16, v15  }
0xf2: {  	v9 =	vld [tilespmem:s18+$0xFFFFFFC0];
	v43 =	vmul.bf16 v22, v21;
	v21 =	vadd.bf16 v51, v48;
	v7 =	vadd.f32 v7, v40  }
0xf3: {  	v10 =	vld [tilespmem:s0+$0xFFFFFFC0];
	v8 =	vadd.bf16 v17, v8  }
0xf4: {  	v55 =	vunpack.i.u.bf16.f32 v21;
	v15 =	vld [tilespmem:s18+$0xFFFFFFD0];
	v3 =	vadd.f32 v7, v3;
	v7 =	vadd.bf16 v43, v42  }
0xf5: {  	v49 =	vld [tilespmem:s0+$0xFFFFFFF0];
	v5 =	vmul.bf16 v5, v27;
	v4 =	vmul.bf16 v4, v6;
	v47 =	vunpack.i.u.bf16.f32 v8  }
0xf6: {  	v52 =	vld [tilespmem:s18+$0x0];
	v8 =	vunpack.i.l.bf16.f32 v8;
	v50 =	vunpack.i.u.bf16.f32 v7;
	v7 =	vunpack.i.l.bf16.f32 v7  }
0xf7: {  	v53 =	vld [tilespmem:s0+$0x0];
	v56 =	vunpack.i.l.bf16.f32 v21;
	v8 =	vadd.f32 v8, v47;
	v7 =	vadd.f32 v7, v50  }
0xf8: {  	v54 =	vld [tilespmem:s18+$0x20];
	v17 =	vadd.f32 v56, v55;
	v4 =	vadd.bf16 v4, v5;
	v5 =	vmul.bf16 v45, v44  }
0xf9: {  	v59 =	vld [tilespmem:s0+$0x30];
	v7 =	vadd.f32 v7, v8;
	v8 =	vmul.bf16 v10, v9;
	v9 =	vmul.bf16 v41, v15  }
0xfa: {  	v6 =	vld [tilespmem:s18+$0x10];
	v57 =	vunpack.i.u.bf16.f32 v4;
	v4 =	vunpack.i.l.bf16.f32 v4;
	v15 =	vmul.bf16 v49, v46  }
0xfb: {  	v10 =	vld [tilespmem:s0+$0x10];
	v4 =	vadd.f32 v4, v57;
	v8 =	vadd.bf16 v9, v8  }
0xfc: {  	v9 =	vld [tilespmem:s0+$0x20];
	v5 =	vadd.bf16 v15, v5  }
0xfd: {  	v11 =	vmul.bf16 v12, v11;
	(xrf2) =	vadd.scan.msk.f32 $0xffff, v3;
	v15 =	vld [tilespmem:s18+$0x30];
	v3 =	vadd.f32 v4, v17;
	v58 =	vunpack.i.u.bf16.f32 v8  }
0xfe: {  	v61 =	vld [tilespmem:s18+$0x40];
	v8 =	vunpack.i.l.bf16.f32 v8;
	v60 =	vunpack.i.u.bf16.f32 v5;
	v5 =	vunpack.i.l.bf16.f32 v5  }
0xff: {  	v62 =	vld [tilespmem:s0+$0x40];
	v12 =	vmul.bf16 v14, v13;
	(xrf2) =	vadd.scan.msk.f32 $0xffff, v7;
	v8 =	vadd.f32 v8, v58;
	v5 =	vadd.f32 v5, v60  }
0x100: {  	v13 =	vld [tilespmem:s0+$0x70];
	(xrf2) =	vadd.scan.msk.f32 $0xffff, v3;
	v3 =	vmul.bf16 v53, v52;
	v6 =	vmul.bf16 v10, v6  }
0x101: {  	v4 =	vld [tilespmem:s18+$0x50];
	v5 =	vadd.f32 v5, v8  }
0x102: {  	v7 =	vld [tilespmem:s0+$0x50];
	v9 =	vmul.bf16 v9, v54;
	v3 =	vadd.bf16 v6, v3;
	v6 =	vmul.bf16 v59, v15  }
0x103: {  	v10 =	vld [tilespmem:s18+$0x70];
	(xrf2) =	vadd.scan.msk.f32 $0xffff, v5  }
0x104: {  	v8 =	vld [tilespmem:s18+$0x60];
	v6 =	vadd.bf16 v6, v9  }
0x105: {  	v11 =	vadd.bf16 v12, v11;
	v5 =	vld [tilespmem:s0+$0x60];
	v14 =	vunpack.i.u.bf16.f32 v3  }
0x106: {  	v63 =	vld [tilespmem:s18+$0x90];
	v3 =	vunpack.i.l.bf16.f32 v3;
	v15 =	vunpack.i.u.bf16.f32 v6;
	v6 =	vunpack.i.l.bf16.f32 v6  }
0x107: {  	v4 =	vmul.bf16 v7, v4;
	v9 =	vld [tilespmem:s18+$0x80];
	v12 =	vadd.f32 v3, v14;
	v6 =	vadd.f32 v6, v15  }
0x108: {  	v7 =	vunpack.i.u.bf16.f32 v11;
	v11 =	vunpack.i.l.bf16.f32 v11;
	v3 =	vmul.bf16 v62, v61;
	v14 =	vld [tilespmem:s0+$0x80]  }
0x109: {  	v1 =	vmul.bf16 v2, v1;
	v2 =	vadd.f32 v11, v7;
	v15 =	vld [tilespmem:s0+$0x90];
	v7 =	vadd.f32 v6, v12  }
0x10a: {  	s1 =	simm.s32 $0x116FF;
	v10 =	vmul.bf16 v13, v10;
	v4 =	vadd.bf16 v4, v3;
	v3 =	vld [tilespmem:s18+$0xA0];
	v8 =	vmul.bf16 v5, v8;
	v5, _, _ =	vpop (xrf2)  }
0x10b: {  	v13, _, _ =	vpop (xrf2);
	[tilespmem:s1+$0x0] =	vst.msk vm0, v5;
	v5 =	vld [tilespmem:s0+$0xA0];
	(xrf2) =	vadd.scan.msk.f32 $0xffff, v7  }
0x10c: {  	v12 =	vunpack.i.u.bf16.f32 v4;
	v4 =	vunpack.i.l.bf16.f32 v4;
	v6 =	vld [tilespmem:s18+$0xB0];
	[tilespmem:s1+$0xFFFFFFFA] =	vst.msk vm0, v13;
	v11, _, _ =	vpop (xrf2);
	v10 =	vadd.bf16 v10, v8  }
0x10d: {  	v4 =	vadd.f32 v4, v12;
	v8 =	vmul.bf16 v14, v9;
	v7 =	vld [tilespmem:s0+$0xB0];
	[tilespmem:s1+$0xFFFFFFFB] =	vst.msk vm0, v11;
	v11, _, _ =	vpop (xrf2)  }
0x10e: {  	s17 =	simm.s32 $0x0;
	v9 =	vld [tilespmem:s18+$0xFFFFFF00];
	s18 =	simm.s32 $0x8320;
	v12 =	vunpack.i.l.bf16.f32 v10;
	[tilespmem:s1+$0xFFFFFFFC] =	vst.msk vm0, v11;
	v11 =	vunpack.i.u.bf16.f32 v10;
	v10 =	vmul.bf16 v15, v63  }
.LBB2_5:
0x10f: {  	v13 =	vld [tilespmem:s18+$0xC0];
	v11 =	vadd.f32 v12, v11;
	s0 =	sadd.s32 $0x200, s0  }
0x110: {  	v12 =	vld [tilespmem:s0+$0xC0];
	v3 =	vmul.bf16 v5, v3;
	v5 =	vadd.bf16 v10, v8  }
0x111: {  	v8 =	vld [tilespmem:s18+$0xD0];
	v4 =	vadd.f32 v11, v4  }
0x112: {  	v10 =	vld [tilespmem:s0+$0xD0];
	v6 =	vmul.bf16 v7, v6;
	v7 =	vunpack.i.u.bf16.f32 v5;
	v5 =	vunpack.i.l.bf16.f32 v5  }
0x113: {  	v11 =	vld [tilespmem:s18+$0xE0];
	v9 =	vmul.bf16 v0, v9;
	v5 =	vadd.f32 v5, v7;
	(xrf2) =	vadd.scan.msk.f32 $0xffff, v4  }
0x114: {  	v4 =	vld [tilespmem:s0+$0xE0];
	v3 =	vadd.bf16 v6, v3  }
0x115: {  	v6 =	vld [tilespmem:s18+$0xF0];
	v1 =	vadd.bf16 v1, v9;
	v0, _, _ =	vpop (xrf2)  }
0x116: {  	s17 =	sadd.s32 $0x8, s17;
	v7 =	vld [tilespmem:s0+$0xF0];
	[tilespmem:s1+$0xFFFFFFFD] =	vst.msk vm0, v0;
	v9 =	vunpack.i.u.bf16.f32 v3;
	v3 =	vunpack.i.l.bf16.f32 v3  }
0x117: {  	p0 =	slt.u32 s17, $0xC0;
	v0 =	vld [tilespmem:s0+$0xFFFFFF00];
	v14 =	vunpack.i.u.bf16.f32 v1;
	v1 =	vunpack.i.l.bf16.f32 v1;
	v3 =	vadd.f32 v3, v9  }
0x118: {  	v9 =	vld [tilespmem:s18+$0xFFFFFF10];
	v1 =	vadd.f32 v1, v14  }
0x119: {  	v14 =	vld [tilespmem:s0+$0xFFFFFF10];
	v3 =	vadd.f32 v3, v5  }
0x11a: {  	v12 =	vmul.bf16 v12, v13;
	v8 =	vmul.bf16 v10, v8;
	v5 =	vld [tilespmem:s18+$0xFFFFFF20];
	v1 =	vadd.f32 v2, v1  }
0x11b: {  	v4 =	vmul.bf16 v4, v11;
	v2 =	vld [tilespmem:s0+$0xFFFFFF20];
	v11 =	vmul.bf16 v7, v6  }
0x11c: {  	v8 =	vadd.bf16 v8, v12;
	v7 =	vld [tilespmem:s18+$0xFFFFFF30];
	(xrf2) =	vadd.scan.msk.f32 $0xffff, v1  }
0x11d: {  	v10 =	vld [tilespmem:s0+$0xFFFFFF30];
	v4 =	vadd.bf16 v11, v4;
	v6, _, _ =	vpop (xrf2)  }
0x11e: {  	v11 =	vunpack.i.u.bf16.f32 v8;
	v1 =	vmul.bf16 v14, v9;
	v9 =	vld [tilespmem:s18+$0xFFFFFF40];
	[tilespmem:s1+$0xFFFFFFFE] =	vst.msk vm0, v6  }
0x11f: {  	v8 =	vunpack.i.l.bf16.f32 v8;
	v6 =	vld [tilespmem:s0+$0xFFFFFF40];
	v12 =	vunpack.i.u.bf16.f32 v4;
	v4 =	vunpack.i.l.bf16.f32 v4;
	(xrf2) =	vadd.scan.msk.f32 $0xffff, v3  }
0x120: {  	v2 =	vmul.bf16 v2, v5;
	v3 =	vld [tilespmem:s18+$0xFFFFFF50];
	v5 =	vadd.f32 v8, v11;
	v4 =	vadd.f32 v4, v12  }
0x121: {  	v8 =	vld [tilespmem:s0+$0xFFFFFF50]  }
0x122: {  	v7 =	vmul.bf16 v10, v7;
	v10 =	vld [tilespmem:s18+$0xFFFFFF60];
	v4 =	vadd.f32 v4, v5  }
0x123: {  	v5 =	vld [tilespmem:s0+$0xFFFFFF60]  }
0x124: {  	v2 =	vadd.bf16 v7, v2;
	v6 =	vmul.bf16 v6, v9;
	v7 =	vld [tilespmem:s18+$0xFFFFFF70];
	(xrf2) =	vadd.scan.msk.f32 $0xffff, v4  }
0x125: {  	v4 =	vld [tilespmem:s0+$0xFFFFFF70]  }
0x126: {  	v9 =	vunpack.i.u.bf16.f32 v2;
	v2 =	vunpack.i.l.bf16.f32 v2;
	v3 =	vmul.bf16 v8, v3;
	v8 =	vld [tilespmem:s18+$0xFFFFFF80];
	v11, _, _ =	vpop (xrf2)  }
0x127: {  	v2 =	vadd.f32 v2, v9;
	v9 =	vld [tilespmem:s0+$0xFFFFFF80];
	[tilespmem:s1+$0xFFFFFFF9] =	vst.msk vm0, v11  }
0x128: {  	v5 =	vmul.bf16 v5, v10;
	v3 =	vadd.bf16 v3, v6;
	v6 =	vld [tilespmem:s18+$0xFFFFFF90]  }
0x129: {  	v10 =	vld [tilespmem:s0+$0xFFFFFF90];
	v11, _, _ =	vpop (xrf2)  }
0x12a: {  	v4 =	vmul.bf16 v4, v7;
	v7 =	vunpack.i.u.bf16.f32 v3;
	v3 =	vunpack.i.l.bf16.f32 v3;
	v12 =	vld [tilespmem:s18+$0xFFFFFFA0];
	[tilespmem:s1+$0xFFFFFFFF] =	vst.msk vm0, v11  }
0x12b: {  	v3 =	vadd.f32 v3, v7;
	v7 =	vld [tilespmem:s0+$0xFFFFFFA0]  }
0x12c: {  	v4 =	vadd.bf16 v4, v5;
	v5 =	vmul.bf16 v9, v8;
	v8 =	vld [tilespmem:s18+$0xFFFFFFB0]  }
0x12d: {  	v9 =	vld [tilespmem:s0+$0xFFFFFFB0]  }
0x12e: {  	s1 =	sadd.s32 $0x8, s1;
	v11 =	vunpack.i.u.bf16.f32 v4;
	v4 =	vunpack.i.l.bf16.f32 v4;
	v6 =	vmul.bf16 v10, v6;
	v10 =	vld [tilespmem:s18+$0xFFFFFFC0];
	v13, _, _ =	vpop (xrf2)  }
0x12f: {  	v4 =	vadd.f32 v4, v11;
	v11 =	vld [tilespmem:s0+$0xFFFFFFC0];
	[tilespmem:s1+$0x0] =	vst.msk vm0, v13  }
0x130: {  	v7 =	vmul.bf16 v7, v12;
	v5 =	vadd.bf16 v6, v5;
	v6 =	vld [tilespmem:s18+$0xFFFFFFD0]  }
0x131: {  	v3 =	vadd.f32 v4, v3;
	v4 =	vld [tilespmem:s0+$0xFFFFFFD0]  }
0x132: {  	v8 =	vmul.bf16 v9, v8;
	v9 =	vunpack.i.u.bf16.f32 v5;
	v5 =	vunpack.i.l.bf16.f32 v5;
	v12 =	vld [tilespmem:s18+$0xFFFFFFE0]  }
0x133: {  	v5 =	vadd.f32 v5, v9;
	v9 =	vld [tilespmem:s0+$0xFFFFFFE0];
	(xrf2) =	vadd.scan.msk.f32 $0xffff, v3  }
0x134: {  	v3 =	vadd.bf16 v8, v7;
	v7 =	vmul.bf16 v11, v10;
	v8 =	vld [tilespmem:s18+$0xFFFFFFF0]  }
0x135: {  	v10 =	vld [tilespmem:s0+$0xFFFFFFF0]  }
0x136: {  	v11 =	vunpack.i.u.bf16.f32 v3;
	v3 =	vunpack.i.l.bf16.f32 v3;
	v4 =	vmul.bf16 v4, v6;
	v6 =	vld [tilespmem:s18+$0x0]  }
0x137: {  	v3 =	vadd.f32 v3, v11;
	v11 =	vld [tilespmem:s0+$0x0]  }
0x138: {  	v9 =	vmul.bf16 v9, v12;
	v4 =	vadd.bf16 v4, v7;
	v7 =	vld [tilespmem:s18+$0x10]  }
0x139: {  	v3 =	vadd.f32 v3, v5;
	v5 =	vld [tilespmem:s0+$0x10]  }
0x13a: {  	v8 =	vmul.bf16 v10, v8;
	v10 =	vunpack.i.u.bf16.f32 v4;
	v4 =	vunpack.i.l.bf16.f32 v4;
	v12 =	vld [tilespmem:s18+$0x20]  }
0x13b: {  	v4 =	vadd.f32 v4, v10;
	v10 =	vld [tilespmem:s0+$0x20];
	(xrf2) =	vadd.scan.msk.f32 $0xffff, v3  }
0x13c: {  	v3 =	vadd.bf16 v8, v9;
	v6 =	vmul.bf16 v11, v6;
	v8 =	vld [tilespmem:s18+$0x30]  }
0x13d: {  	v9 =	vld [tilespmem:s0+$0x30];
	v11, _, _ =	vpop (xrf2)  }
0x13e: {  	[tilespmem:s1+$0xFFFFFFFA] =	vst.msk vm0, v11;
	v11 =	vunpack.i.u.bf16.f32 v3;
	v3 =	vunpack.i.l.bf16.f32 v3;
	v5 =	vmul.bf16 v5, v7;
	v7 =	vld [tilespmem:s18+$0x40]  }
0x13f: {  	v3 =	vadd.f32 v3, v11;
	v11 =	vld [tilespmem:s0+$0x40]  }
0x140: {  	v10 =	vmul.bf16 v10, v12;
	v5 =	vadd.bf16 v5, v6;
	v6 =	vld [tilespmem:s18+$0x50]  }
0x141: {  	v3 =	vadd.f32 v3, v4;
	v4 =	vld [tilespmem:s0+$0x50]  }
0x142: {  	v8 =	vmul.bf16 v9, v8;
	v9 =	vunpack.i.u.bf16.f32 v5;
	v5 =	vunpack.i.l.bf16.f32 v5;
	v12 =	vld [tilespmem:s18+$0x60]  }
0x143: {  	v5 =	vadd.f32 v5, v9;
	v9 =	vld [tilespmem:s0+$0x60];
	(xrf2) =	vadd.scan.msk.f32 $0xffff, v3  }
0x144: {  	v3 =	vadd.bf16 v8, v10;
	v7 =	vmul.bf16 v11, v7;
	v8 =	vld [tilespmem:s18+$0x70]  }
0x145: {  	v10 =	vld [tilespmem:s0+$0x70];
	v11, _, _ =	vpop (xrf2)  }
0x146: {  	[tilespmem:s1+$0xFFFFFFFB] =	vst.msk vm0, v11;
	v11 =	vunpack.i.u.bf16.f32 v3;
	v3 =	vunpack.i.l.bf16.f32 v3;
	v4 =	vmul.bf16 v4, v6;
	v6 =	vld [tilespmem:s18+$0x80]  }
0x147: {  	v3 =	vadd.f32 v3, v11;
	v11 =	vld [tilespmem:s0+$0x80]  }
0x148: {  	v9 =	vmul.bf16 v9, v12;
	v4 =	vadd.bf16 v4, v7;
	v13 =	vld [tilespmem:s18+$0x90]  }
0x149: {  	v7 =	vadd.f32 v3, v5;
	v14 =	vld [tilespmem:s0+$0x90]  }
.Ltmp1:
0x14a: {  	v8 =	vmul.bf16 v10, v8;
	v5 =	vunpack.i.u.bf16.f32 v4;
	v4 =	vunpack.i.l.bf16.f32 v4;
	v3 =	vld [tilespmem:s18+$0xA0];
	(pc) =	sbr.rel @p0 .LBB2_5-.Ltmp1, $4  }
0x14b: {  	v4 =	vadd.f32 v4, v5;
	v5 =	vld [tilespmem:s0+$0xA0];
	(xrf2) =	vadd.scan.msk.f32 $0xffff, v7  }
0x14c: {  	v10 =	vadd.bf16 v8, v9;
	v8 =	vmul.bf16 v11, v6;
	v6 =	vld [tilespmem:s18+$0xB0]  }
0x14d: {  	v7 =	vld [tilespmem:s0+$0xB0];
	v11, _, _ =	vpop (xrf2)  }
0x14e: {  	v9 =	vld [tilespmem:s18+$0xFFFFFF00];
	[tilespmem:s1+$0xFFFFFFFC] =	vst.msk vm0, v11;
	v11 =	vunpack.i.u.bf16.f32 v10;
	v12 =	vunpack.i.l.bf16.f32 v10;
	v10 =	vmul.bf16 v14, v13;
	s18 =	sadd.s32 $0x200, s18  }
0x14f: {  	_ =	sdelay $0x3  }
0x150: {  	v11 =	vadd.f32 v12, v11;
	v0 =	vmul.bf16 v0, v9  }
0x151: {  	v3 =	vmul.bf16 v5, v3;
	v54 =	vadd.bf16 v10, v8;
	v6 =	vmul.bf16 v7, v6  }
0x152: {  	v0 =	vadd.bf16 v1, v0  }
0x153: {  	v55 =	vadd.f32 v11, v4;
	v56 =	vunpack.i.u.bf16.f32 v54;
	v3 =	vadd.bf16 v6, v3  }
0x154: {  	v5 =	vunpack.i.l.bf16.f32 v54;
	v57 =	vunpack.i.u.bf16.f32 v0;
	v0 =	vunpack.i.l.bf16.f32 v0  }
0x155: {  	v58 =	vunpack.i.u.bf16.f32 v3;
	v3 =	vunpack.i.l.bf16.f32 v3;
	v0 =	vadd.f32 v0, v57  }
0x156: {  	v4 =	vadd.f32 v5, v56;
	v3 =	vadd.f32 v3, v58  }
0x157: {  	v0 =	vadd.f32 v2, v0  }
0x158: {  	(xrf2) =	vadd.scan.msk.f32 $0xffff, v55;
	v59 =	vadd.f32 v3, v4  }
0x159: {  	(xrf2) =	vadd.scan.msk.f32 $0xffff, v0  }
0x15a: {  	(xrf2) =	vadd.scan.msk.f32 $0xffff, v59;
	_ =	sdelay $0x5  }
0x15b: {  	s29 =	sadd.s32 $0x1, s29  }
0x15c: {  	p0 =	sne.s32 s29, $0x19;
	v60, _, _ =	vpop (xrf2)  }
.Ltmp2:
0x15d: {  	[tilespmem:s1+$0xFFFFFFFD] =	vst.msk vm0, v60;
	v61, _, _ =	vpop (xrf2);
	(pc) =	sbr.rel @p0 .LBB2_2-.Ltmp2, $4  }
0x15e: {  	s0 =	sadd.s32 s5, s30;
	[tilespmem:s1+$0xFFFFFFFE] =	vst.msk vm0, v61;
	v62, _, _ =	vpop (xrf2)  }
0x15f: {  	s0 =	sshrl.u32 s0, $0x3;
	[tilespmem:s1+$0xFFFFFFF9] =	vst.msk vm0, v62;
	v63, _, _ =	vpop (xrf2)  }
0x160: {  	s0 =	sadd.s32 s2, s0;
	[tilespmem:s1+$0xFFFFFFFF] =	vst.msk vm0, v63  }
0x161: {  	[hbm4b:s0+s4] =	stream.linear.scatter [tilespmem:s26], [sflag:$0x6], $0xC8, $0x38;
	[tilespmem:$0x1B410] =	vst v63  }
0x162: {  	s28 =	sadd.s32 $0x1, s28  }
0x163: {  	_ =	swait.ge [sflag:s14], $0xC8;
	p0 =	sne.s32 s28, s10  }
.Ltmp3:
0x164: {  	[sflag:s14] =	ssyncset.done $0x0;
	(pc) =	sbr.rel @p0 .LBB2_1-.Ltmp3, $4  }
0x165: {  	[sflag:s14] =	ssyncadd.s32 $0xFFFFFF38  }
0x166: {  	_ =	swait.ge [sflag:s15], $0xC8  }
0x167: {  	[sflag:s15] =	ssyncset.done $0x0  }
0x168: {  	[sflag:s15] =	ssyncadd.s32 $0xFFFFFF38  }
0x169: {  	_ =	sfence.sel $0x180000  }
0x16a: {  	[bflag:$0x0] =	sbarrier.arrive $0xFFFF  }
0x16b: {  	_ =	strace $0x90000047  }
0x16c: {  	s0 =	stileid.u32;
	[bflag:$0x2] =	sbarrier.arrive $0xFFFF  }
0x16d: {  	p0 =	sne.s32 s0, $0x0;
	s0 =	rddreg [dreg:$0x3]  }
0x16e: {  	s0 =	sadd.s32 @!p0 $0x100000, s0  }
0x16f: {  	[sflag:s0] =	ssyncadd.tile.s32 @!p0 $0x1;
	_ =	shalt  }
.Lfunc_end2:
_tile_overlayer_lowered:
.L_overlay_start_2:
0x170: {  	(tag) =	ssettag $0x2  }
0x171: {  	s0 =	rddreg [dreg:$0x0];
	s2 =	stileid.u32  }
0x172: {  	s1 =	rddreg [dreg:$0x1];
	p0 =	sne.s32 s2, $0x0  }
0x173: {  	s3 =	rddreg [dreg:$0x2];
	[bflag:$0x3] =	sbarrier.arrive $0xFFFF;
	s2 =	simm.s32 @!p0 $0x1C07  }
0x174: {  	[timem:s3], [sflag:s2] =	dma.local @!p0 [hbm:s0], s1  }
0x175: {  	s0 =	simm.s32 @!p0 $0x7  }
0x176: {  	_ =	swait.ge @!p0 [sflag:s0], s1  }
0x177: {  	s1 =	ssub.s32 @!p0 $0x0, s1;
	[sflag:s0] =	ssyncset.done @!p0 $0x0  }
0x178: {  	[sflag:s0] =	ssyncadd.s32 @!p0 s1  }
0x179: {  	[bflag:$0x3] =	sbarrier.arrive $0xFFFF  }
0x17a: {  	_ =	shalt  }

</sc_bundles>
